<compile_context>
chip_gen: v7x
topology: tpu7x:2x2x1
jax: 0.10.2.dev20260603
libtpu: 0.0.44.dev20260713+nightly
codegen_flags: <defaults>
</compile_context>

<pallas_src>
import functools

import jax
import jax.numpy as jnp
from jax.experimental import pallas as pl
from jax.experimental.pallas import tpu as pltpu

N_TOKENS = 2048
DIM_UNI = 1024
DIM_HIDDEN = 256
NUM_GENES = 2000
NUM_EXPERTS = 4
NUM_HEADS = 4
DH = DIM_HIDDEN // NUM_HEADS

TB = 256
N_TB = N_TOKENS // TB

_F32 = jnp.float32


_BF16 = jnp.bfloat16


def _mmT(x, w):
    return jax.lax.dot_general(x.astype(w.dtype), w, (((1,), (1,)), ((), ())),
                               preferred_element_type=_F32)


def _gelu(x):
    return 0.5 * x * (1.0 + jax.lax.erf(x * 0.70710678118654752))


def _softplus(x):
    return jnp.log(1.0 + jnp.exp(x))


def _sigmoid(x):
    return 1.0 / (1.0 + jnp.exp(-x))


def _ln(x, g, b, eps=1e-5):
    m = jnp.mean(x, axis=-1, keepdims=True)
    v = jnp.mean((x - m) ** 2, axis=-1, keepdims=True)
    return (x - m) * jax.lax.rsqrt(v + eps) * g + b




def _k12_body(pos_ref, bf_ref, vis_ref, imgW_ref, imgb_ref, posW_ref,
              posb_ref, wqkv_ref, bqkv_ref, grad_ref, wo_ref, bo_ref,
              lng_ref, lnb_ref, rw_ref, rb_ref,
              z2_ref, probs_ref, p1_ref, slot_ref, icb_ref,
              zs, qs, ks, vs, eacc_ref):
    i = pl.program_id(0)

    @pl.when(i < N_TB)
    def _encode():
        xp = 2.0 * jnp.pi * jax.lax.dot_general(
            pos_ref[...], bf_ref[...], (((1,), (0,)), ((), ())),
            preferred_element_type=_F32)
        fe = jnp.concatenate([jnp.sin(xp), jnp.cos(xp)], axis=-1)
        z = (_mmT(vis_ref[...], imgW_ref[...].astype(_BF16)) + imgb_ref[...]
             + _mmT(fe, posW_ref[...].astype(_BF16)) + posb_ref[...])
        zs[pl.ds(i * TB, TB), :] = z
        qkv = (_mmT(z, wqkv_ref[...].astype(_BF16))
               + bqkv_ref[...]).astype(_BF16)
        ones = jnp.ones((TB, DH), dtype=_BF16)
        for h in range(NUM_HEADS):
            qs[h, pl.ds(i * TB, TB), :] = (
                qkv[:, h * DH:(h + 1) * DH] * _BF16(0.125))
            ks[h, pl.ds(i * TB, TB), :] = (
                qkv[:, DIM_HIDDEN + h * DH:DIM_HIDDEN + (h + 1) * DH])
            vs[h, pl.ds(i * TB, TB), :] = jnp.concatenate(
                [qkv[:, 2 * DIM_HIDDEN + h * DH:
                     2 * DIM_HIDDEN + (h + 1) * DH], ones], axis=-1)

    @pl.when(i >= N_TB)
    def _attend():
        j = i - N_TB
        heads = []
        for h in range(NUM_HEADS):
            q = qs[h, pl.ds(j * TB, TB), :]
            s = jax.lax.dot_general(q, ks[h], (((1,), (1,)), ((), ())),
                                    preferred_element_type=_F32)
            e = jnp.exp(s.astype(_BF16))
            ov = jax.lax.dot_general(e, vs[h], (((1,), (0,)), ((), ())),
                                     preferred_element_type=_F32)
            heads.append(ov[:, :DH] * (1.0 / ov[:, DH:DH + 1]))
        o = jnp.concatenate(heads, axis=-1)
        out = _mmT(o.astype(_BF16), wo_ref[...].astype(_BF16)) + bo_ref[...]
        z2 = _ln(zs[pl.ds(j * TB, TB), :] + out, lng_ref[...], lnb_ref[...])
        z2_ref[...] = z2
        rw = rw_ref[...]
        logits = (jax.lax.dot_general(z2, rw[:, :DIM_HIDDEN],
                                      (((1,), (1,)), ((), ())),
                                      preferred_element_type=_F32)
                  + grad_ref[...] * rw[:, DIM_HIDDEN:DIM_HIDDEN + 1].T
                  + rb_ref[...])
        mx = jnp.max(logits, axis=-1, keepdims=True)
        ee = jnp.exp(logits - mx)
        probs = ee / jnp.sum(ee, axis=-1, keepdims=True)
        probs_ref[...] = probs
        eidx = jnp.argmax(probs, axis=-1).astype(jnp.int32)
        eacc_ref[pl.ds(j * TB, TB), :] = eidx[:, None]
        p1_ref[...] = jnp.max(probs, axis=-1, keepdims=True)

        @pl.when(i == 2 * N_TB - 1)
        def _slots():
            _slots_from_eidx(eacc_ref[...], slot_ref, icb_ref)


def _k12(vis, pos, grad, p):
    enc_ix = lambda i: (jnp.minimum(i, N_TB - 1), 0)
    att_ix = lambda i: (jnp.maximum(i - N_TB, 0), 0)
    const2 = lambda i: (0, 0)
    f = pl.pallas_call(
        _k12_body,
        grid=(2 * N_TB,),
        in_specs=[
            pl.BlockSpec((TB, 3), enc_ix),
            pl.BlockSpec((3, 64), const2),
            pl.BlockSpec((TB, DIM_UNI), enc_ix),
            pl.BlockSpec((DIM_HIDDEN, DIM_UNI), const2),
            pl.BlockSpec((1, DIM_HIDDEN), const2),
            pl.BlockSpec((DIM_HIDDEN, 128), const2),
            pl.BlockSpec((1, DIM_HIDDEN), const2),
            pl.BlockSpec((3 * DIM_HIDDEN, DIM_HIDDEN), const2),
            pl.BlockSpec((1, 3 * DIM_HIDDEN), const2),
            pl.BlockSpec((TB, 1), att_ix),
            pl.BlockSpec((DIM_HIDDEN, DIM_HIDDEN), const2),
            pl.BlockSpec((1, DIM_HIDDEN), const2),
            pl.BlockSpec((1, DIM_HIDDEN), const2),
            pl.BlockSpec((1, DIM_HIDDEN), const2),
            pl.BlockSpec((NUM_EXPERTS, DIM_HIDDEN + 1), const2),
            pl.BlockSpec((1, NUM_EXPERTS), const2),
        ],
        out_specs=[
            pl.BlockSpec((TB, DIM_HIDDEN), att_ix),
            pl.BlockSpec((TB, NUM_EXPERTS), att_ix),
            pl.BlockSpec((TB, 1), att_ix),
            pl.BlockSpec((N_TOKENS, 1), const2),
            pl.BlockSpec((1, NUM_EXPERTS), const2),
        ],
        out_shape=[
            jax.ShapeDtypeStruct((N_TOKENS, DIM_HIDDEN), _F32),
            jax.ShapeDtypeStruct((N_TOKENS, NUM_EXPERTS), _F32),
            jax.ShapeDtypeStruct((N_TOKENS, 1), _F32),
            jax.ShapeDtypeStruct((N_TOKENS, 1), jnp.int32),
            jax.ShapeDtypeStruct((1, NUM_EXPERTS), jnp.int32),
        ],
        scratch_shapes=[
            pltpu.VMEM((N_TOKENS, DIM_HIDDEN), _F32),
            pltpu.VMEM((NUM_HEADS, N_TOKENS, DH), _BF16),
            pltpu.VMEM((NUM_HEADS, N_TOKENS, DH), _BF16),
            pltpu.VMEM((NUM_HEADS, N_TOKENS, 2 * DH), _BF16),
            pltpu.VMEM((N_TOKENS, 1), jnp.int32),
        ],
        compiler_params=pltpu.CompilerParams(
            dimension_semantics=("arbitrary",)),
    )
    return f(pos, p['B_fourier'], vis, p['img_W'], p['img_b'][None, :],
             p['pos_W'], p['pos_b'][None, :], p['attn_Wqkv'],
             p['attn_bqkv'][None, :], grad, p['attn_Wo'],
             p['attn_bo'][None, :], p['ln1_g'][None, :], p['ln1_b'][None, :],
             p['router_W'], p['router_b'][None, :])



N_GROUPS = 16
GROUP = N_TOKENS // N_GROUPS
N_FFN_BLOCKS = N_TOKENS // TB + NUM_EXPERTS - 1
N_PAD = N_FFN_BLOCKS * TB


def _slots_from_eidx(eidx, slot_ref, icb_ref):
    lane = jax.lax.broadcasted_iota(jnp.int32, (N_TOKENS, NUM_EXPERTS), 1)
    oh = (lane == eidx).astype(_F32)
    oh3 = oh.reshape(N_GROUPS, GROUP, NUM_EXPERTS)
    l128 = (jax.lax.broadcasted_iota(jnp.int32, (GROUP, GROUP), 1)
            < jax.lax.broadcasted_iota(jnp.int32, (GROUP, GROUP), 0)
            ).astype(_F32)
    ranks = []
    for g in range(N_GROUPS):
        ranks.append(jax.lax.dot_general(
            l128, oh3[g], (((1,), (0,)), ((), ())),
            preferred_element_type=_F32))
    ranks3 = jnp.stack(ranks)
    gsum = jnp.sum(oh3, axis=1)
    s16 = (jax.lax.broadcasted_iota(jnp.int32, (N_GROUPS, N_GROUPS), 1)
           < jax.lax.broadcasted_iota(jnp.int32, (N_GROUPS, N_GROUPS), 0)
           ).astype(_F32)
    gcum = jax.lax.dot_general(s16, gsum, (((1,), (0,)), ((), ())),
                               preferred_element_type=_F32)
    rank = (ranks3 + gcum[:, None, :]).reshape(N_TOKENS, NUM_EXPERTS)
    counts = jnp.sum(gsum, axis=0, keepdims=True)
    nb = jnp.floor((counts + _F32(TB - 1)) * _F32(1.0 / TB))
    u4 = (jax.lax.broadcasted_iota(jnp.int32, (NUM_EXPERTS, NUM_EXPERTS), 0)
          < jax.lax.broadcasted_iota(jnp.int32, (NUM_EXPERTS, NUM_EXPERTS), 1)
          ).astype(_F32)
    excl_b = jax.lax.dot_general(nb, u4, (((1,), (0,)), ((), ())),
                                 preferred_element_type=_F32)
    pad_off = excl_b * _F32(TB)
    slot = jnp.sum(oh * (rank + pad_off), axis=1, keepdims=True)
    slot_ref[...] = slot.astype(jnp.int32)
    icb_ref[...] = (excl_b + nb).astype(jnp.int32)



_SC_WORKERS = 32
_TOK_PER_W = N_TOKENS // _SC_WORKERS


def _sc_mesh():
    from jax.experimental.pallas import tpu_sc as plsc
    return plsc.VectorSubcoreMesh(core_axis_name="c", subcore_axis_name="s")


def _sc_scatter(z2, slot):
    @functools.partial(
        pl.kernel, mesh=_sc_mesh(),
        out_type=jax.ShapeDtypeStruct((N_PAD, DIM_HIDDEN), _F32),
        scratch_types=[
            pltpu.VMEM((_TOK_PER_W,), jnp.int32),
            pltpu.VMEM((_TOK_PER_W, DIM_HIDDEN), _F32),
            pltpu.SemaphoreType.DMA,
        ],
    )
    def k(z2_hbm, slot_hbm, zbuf_hbm, idx_v, rows_v, sem):
        wid = (jax.lax.axis_index("s") * 2 + jax.lax.axis_index("c"))
        base = wid * _TOK_PER_W
        pltpu.sync_copy(slot_hbm.at[pl.ds(base, _TOK_PER_W)], idx_v)
        pltpu.sync_copy(z2_hbm.at[pl.ds(base, _TOK_PER_W)], rows_v)
        pltpu.async_copy(rows_v, zbuf_hbm.at[idx_v], sem).wait()

    return k(z2, slot)


def _sc_gather(ybuf, slot):
    @functools.partial(
        pl.kernel, mesh=_sc_mesh(),
        out_type=jax.ShapeDtypeStruct((N_TOKENS, DIM_HIDDEN), _F32),
        scratch_types=[
            pltpu.VMEM((_TOK_PER_W,), jnp.int32),
            pltpu.VMEM((_TOK_PER_W, DIM_HIDDEN), _F32),
            pltpu.SemaphoreType.DMA,
        ],
    )
    def k(ybuf_hbm, slot_hbm, yg_hbm, idx_v, rows_v, sem):
        wid = (jax.lax.axis_index("s") * 2 + jax.lax.axis_index("c"))
        base = wid * _TOK_PER_W
        pltpu.sync_copy(slot_hbm.at[pl.ds(base, _TOK_PER_W)], idx_v)
        pltpu.async_copy(ybuf_hbm.at[idx_v], rows_v, sem).wait()
        pltpu.sync_copy(rows_v, yg_hbm.at[pl.ds(base, _TOK_PER_W)])

    return k(ybuf, slot)



def _k5ffn_body(icb_ref, zbuf_ref, w1_ref, b1_ref, w2_ref, b2_ref, ybuf_ref):
    b = pl.program_id(0)

    @pl.when(b < icb_ref[3])
    def _():
        z = zbuf_ref[...].astype(_BF16)
        w1 = w1_ref[0].astype(_BF16)
        h = _gelu((jax.lax.dot_general(z, w1, (((1,), (1,)), ((), ())),
                                       preferred_element_type=_F32)
                   + b1_ref[0]).astype(_BF16))
        w2 = w2_ref[0].astype(_BF16)
        eo = jax.lax.dot_general(h, w2,
                                 (((1,), (1,)), ((), ())),
                                 preferred_element_type=_F32) + b2_ref[0]
        ybuf_ref[...] = eo


def _expert_of(b, m):
    e = ((m[0] <= b).astype(jnp.int32) + (m[1] <= b).astype(jnp.int32)
         + (m[2] <= b).astype(jnp.int32))
    return e


def _k5ffn(icb, zbuf, p):
    grid_spec = pltpu.PrefetchScalarGridSpec(
        num_scalar_prefetch=1,
        grid=(N_FFN_BLOCKS,),
        in_specs=[
            pl.BlockSpec((TB, DIM_HIDDEN), lambda b, m: (b, 0)),
            pl.BlockSpec((1, 4 * DIM_HIDDEN, DIM_HIDDEN),
                         lambda b, m: (_expert_of(b, m), 0, 0)),
            pl.BlockSpec((1, 1, 4 * DIM_HIDDEN),
                         lambda b, m: (_expert_of(b, m), 0, 0)),
            pl.BlockSpec((1, DIM_HIDDEN, 4 * DIM_HIDDEN),
                         lambda b, m: (_expert_of(b, m), 0, 0)),
            pl.BlockSpec((1, 1, DIM_HIDDEN),
                         lambda b, m: (_expert_of(b, m), 0, 0)),
        ],
        out_specs=pl.BlockSpec((TB, DIM_HIDDEN), lambda b, m: (b, 0)),
    )
    f = pl.pallas_call(
        _k5ffn_body,
        grid_spec=grid_spec,
        out_shape=jax.ShapeDtypeStruct((N_PAD, DIM_HIDDEN), _F32),
        compiler_params=pltpu.CompilerParams(
            dimension_semantics=("parallel",)),
    )
    return f(icb, zbuf, p['exp_W1'], p['exp_b1'][:, None, :],
             p['exp_W2'], p['exp_b2'][:, None, :])



def _k5_body(z2_ref, yg_ref, p1_ref, d1w_ref, d1b_ref, dlng_ref, dlnb_ref,
             d2w_ref, d2b_ref, f1w_ref, f1b_ref, f2w_ref, f2b_ref,
             mu_ref, g_ref):
    z3 = z2_ref[...] + p1_ref[...] * yg_ref[...]
    d = _mmT(z3, d1w_ref[...].astype(_BF16)) + d1b_ref[...]
    d = _gelu(_ln(d, dlng_ref[...], dlnb_ref[...]).astype(_BF16))
    mu_ref[...] = _softplus(_mmT(d, d2w_ref[...]) + d2b_ref[...])
    fh = _gelu((_mmT(z3, f1w_ref[...].astype(_BF16))
                + f1b_ref[...]).astype(_BF16))
    g_lin = jnp.sum(fh * f2w_ref[...], axis=-1, keepdims=True)
    g_ref[...] = _sigmoid(g_lin + f2b_ref[0, 0])


DB = 512


def _k5(z2, yg, p1, p):
    d2w_even = p['dec2_W'].reshape(NUM_GENES, 2, DIM_HIDDEN)[:, 0, :].astype(_BF16)
    d2b_even = p['dec2_b'].reshape(NUM_GENES, 2)[:, 0]
    f = pl.pallas_call(
        _k5_body,
        grid=(N_TOKENS // DB,),
        in_specs=[
            pl.BlockSpec((DB, DIM_HIDDEN), lambda i: (i, 0)),
            pl.BlockSpec((DB, DIM_HIDDEN), lambda i: (i, 0)),
            pl.BlockSpec((DB, 1), lambda i: (i, 0)),
            pl.BlockSpec((DIM_HIDDEN, DIM_HIDDEN), lambda i: (0, 0)),
            pl.BlockSpec((1, DIM_HIDDEN), lambda i: (0, 0)),
            pl.BlockSpec((1, DIM_HIDDEN), lambda i: (0, 0)),
            pl.BlockSpec((1, DIM_HIDDEN), lambda i: (0, 0)),
            pl.BlockSpec((NUM_GENES, DIM_HIDDEN), lambda i: (0, 0)),
            pl.BlockSpec((1, NUM_GENES), lambda i: (0, 0)),
            pl.BlockSpec((64, DIM_HIDDEN), lambda i: (0, 0)),
            pl.BlockSpec((1, 64), lambda i: (0, 0)),
            pl.BlockSpec((1, 64), lambda i: (0, 0)),
            pl.BlockSpec((1, 1), lambda i: (0, 0)),
        ],
        out_specs=[
            pl.BlockSpec((DB, NUM_GENES), lambda i: (i, 0)),
            pl.BlockSpec((DB, 1), lambda i: (i, 0)),
        ],
        out_shape=[
            jax.ShapeDtypeStruct((N_TOKENS, NUM_GENES), _F32),
            jax.ShapeDtypeStruct((N_TOKENS, 1), _F32),
        ],
        compiler_params=pltpu.CompilerParams(
            dimension_semantics=("parallel",)),
    )
    return f(z2, yg, p1, p['dec1_W'], p['dec1_b'][None, :], p['dec_ln_g'][None, :],
             p['dec_ln_b'][None, :], d2w_even, d2b_even[None, :],
             p['fh1_W'], p['fh1_b'][None, :], p['fh2_W'],
             p['fh2_b'][None, :])


def kernel(vis, pos, grad, params):
    p = params
    z2, probs, p1, slot2d, icb2d = _k12(vis, pos, grad, p)
    slot = slot2d.reshape(N_TOKENS)
    icb = icb2d.reshape(NUM_EXPERTS)
    zbuf = _sc_scatter(z2, slot)
    ybuf = _k5ffn(icb, zbuf, p)
    yg = _sc_gather(ybuf, slot)
    mu, g = _k5(z2, yg, p1, p)
    return mu, g, probs

# --- scband reference (transcript-rebuilt; emitter-appended) ---
"""Pipeline reference for scband-mo-est-plus-inference-81922206204360 (READ-ONLY COPY).

The authoritative reference and input builder live on the scoring server;
editing this copy changes nothing except your own understanding.
"""

import jax, jax.numpy as jnp
import numpy as np

N_TOKENS = 2048
DIM_UNI = 1024
DIM_HIDDEN = 256
NUM_GENES = 2000
NUM_EXPERTS = 4
TOP_K = 1
NUM_HEADS = 4


def _lin(x, W, b):
    return x @ W.T + b


def _ln(x, g, b, eps=1e-5):
    m = x.mean(-1, keepdims=True)
    v = ((x - m) ** 2).mean(-1, keepdims=True)
    return (x - m) / jnp.sqrt(v + eps) * g + b


def setup_inputs(seed: int = 0) -> dict:
    key = jax.random.key(seed)
    ks = jax.random.split(key, 16)
    def w(i, shape, s=0.02):
        return jax.random.normal(ks[i], shape, dtype=jnp.float32) * s
    params = {
        'B_fourier': jax.random.normal(ks[0], (3, 64), dtype=jnp.float32) * 10.0,
        'img_W': w(1, (DIM_HIDDEN, DIM_UNI)), 'img_b': jnp.zeros(DIM_HIDDEN, jnp.float32),
        'pos_W': w(2, (DIM_HIDDEN, 128)), 'pos_b': jnp.zeros(DIM_HIDDEN, jnp.float32),
        'attn_Wqkv': w(3, (3 * DIM_HIDDEN, DIM_HIDDEN)), 'attn_bqkv': jnp.zeros(3 * DIM_HIDDEN, jnp.float32),
        'attn_Wo': w(4, (DIM_HIDDEN, DIM_HIDDEN)), 'attn_bo': jnp.zeros(DIM_HIDDEN, jnp.float32),
        'ln1_g': jnp.ones(DIM_HIDDEN, jnp.float32), 'ln1_b': jnp.zeros(DIM_HIDDEN, jnp.float32),
        'router_W': w(5, (NUM_EXPERTS, DIM_HIDDEN + 1)), 'router_b': jnp.zeros(NUM_EXPERTS, jnp.float32),
        'exp_W1': w(6, (NUM_EXPERTS, 4 * DIM_HIDDEN, DIM_HIDDEN)), 'exp_b1': jnp.zeros((NUM_EXPERTS, 4 * DIM_HIDDEN), jnp.float32),
        'exp_W2': w(7, (NUM_EXPERTS, DIM_HIDDEN, 4 * DIM_HIDDEN)), 'exp_b2': jnp.zeros((NUM_EXPERTS, DIM_HIDDEN), jnp.float32),
        'dec1_W': w(8, (DIM_HIDDEN, DIM_HIDDEN)), 'dec1_b': jnp.zeros(DIM_HIDDEN, jnp.float32),
        'dec_ln_g': jnp.ones(DIM_HIDDEN, jnp.float32), 'dec_ln_b': jnp.zeros(DIM_HIDDEN, jnp.float32),
        'dec2_W': w(9, (NUM_GENES * 2, DIM_HIDDEN)), 'dec2_b': jnp.zeros(NUM_GENES * 2, jnp.float32),
        'fh1_W': w(10, (64, DIM_HIDDEN)), 'fh1_b': jnp.zeros(64, jnp.float32),
        'fh2_W': w(11, (1, 64)), 'fh2_b': jnp.zeros(1, jnp.float32),
    }
    vis = jax.random.normal(ks[12], (N_TOKENS, DIM_UNI), dtype=jnp.float32)
    pos = jax.random.uniform(ks[13], (N_TOKENS, 3), dtype=jnp.float32)
    grad = jax.random.normal(ks[14], (N_TOKENS, 1), dtype=jnp.float32)
    return {'vis': vis, 'pos': pos, 'grad': grad, 'params': params}


def _forward(vis, pos, grad, p):
    # FourierEncoding + pos_enc linear
    xp = 2.0 * np.pi * (pos @ p['B_fourier'])
    fe = jnp.concatenate([jnp.sin(xp), jnp.cos(xp)], axis=-1)
    z = _lin(vis, p['img_W'], p['img_b']) + _lin(fe, p['pos_W'], p['pos_b'])
    # SpatialContextAttention (MultiheadAttention, batch of 1)
    N = z.shape[0]
    dh = DIM_HIDDEN // NUM_HEADS
    qkv = _lin(z, p['attn_Wqkv'], p['attn_bqkv'])
    q, k, v = jnp.split(qkv, 3, axis=-1)
    def sh(t):
        return t.reshape(N, NUM_HEADS, dh).transpose(1, 0, 2)
    q, k, v = sh(q), sh(k), sh(v)
    att = jax.nn.softmax(q @ k.transpose(0, 2, 1) / jnp.sqrt(jnp.float32(dh)), axis=-1)
    out = (att @ v).transpose(1, 0, 2).reshape(N, DIM_HIDDEN)
    out = _lin(out, p['attn_Wo'], p['attn_bo'])
    z = _ln(z + out, p['ln1_g'], p['ln1_b'])
    # SparseMoELayer (top-1 routing over 4 experts)
    router_in = jnp.concatenate([z, grad], axis=-1)
    probs = jax.nn.softmax(_lin(router_in, p['router_W'], p['router_b']), axis=-1)
    topk_probs, topk_idx = jax.lax.top_k(probs, TOP_K)
    h = jax.nn.gelu(jnp.einsum('nd,efd->nef', z, p['exp_W1']) + p['exp_b1'], approximate=False)
    eo = jnp.einsum('nef,edf->ned', h, p['exp_W2']) + p['exp_b2']
    moe_out = jnp.zeros_like(z)
    for i in range(TOP_K):
        oh = jax.nn.one_hot(topk_idx[:, i], NUM_EXPERTS, dtype=z.dtype)
        sel = jnp.einsum('ne,ned->nd', oh, eo)
        moe_out = moe_out + topk_probs[:, i:i + 1] * sel
    z = z + moe_out
    # gene decoder
    d = _lin(z, p['dec1_W'], p['dec1_b'])
    d = jax.nn.gelu(_ln(d, p['dec_ln_g'], p['dec_ln_b']), approximate=False)
    preds = _lin(d, p['dec2_W'], p['dec2_b']).reshape(N, NUM_GENES, 2)
    mu = jax.nn.softplus(preds[:, :, 0])
    # func head
    g = jax.nn.sigmoid(_lin(jax.nn.gelu(_lin(z, p['fh1_W'], p['fh1_b']), approximate=False), p['fh2_W'], p['fh2_b']))
    return mu, g, probs


def reference(vis, pos, grad, params):
    return _forward(vis, pos, grad, params)

if __name__ == "__main__":
    import jax
    _d = setup_inputs()
    print(jax.jit(kernel)(*tuple(_d.values())))

</pallas_src>

<mosaic_0001>
#map = affine_map<(d0, d1) -> (0, 0)>
#map1 = affine_map<(d0, d1) -> (0)>
module attributes {stable_mosaic.version = 14 : i64} {
  func.func @k(%arg0: i32, %arg1: i32, %arg2: memref<2048x256xf32, #tpu.memory_space<hbm>>, %arg3: memref<2048xi32, #tpu.memory_space<hbm>>, %arg4: memref<2816x256xf32, #tpu.memory_space<hbm>>, %arg5: memref<64xi32, #tpu.memory_space<vmem>>, %arg6: memref<64x256xf32, #tpu.memory_space<vmem>>, %arg7: memref<!tpu.dma_semaphore, #tpu.memory_space<semaphore_mem>>) attributes {dimension_semantics = [#tpu.dimension_semantics<core_parallel>, #tpu.dimension_semantics<subcore_parallel>], iteration_bounds = array<i64: 2, 16>, scalar_prefetch = 0 : i64, scratch_operands = 3 : i64, tpu.core_type = #tpu.core_type<sc_vector_subcore>, window_params = [{transform_indices = #map}, {transform_indices = #map1}, {transform_indices = #map}]} {
    %mul3A = arith.constant 2 : i32
    %mul3A_0 = arith.muli %arg1, %mul3A : i32
    %add3A = arith.addi %mul3A_0, %arg0 : i32
    %mul3A_1 = arith.constant 64 : i32
    %mul3A_2 = arith.muli %add3A, %mul3A_1 : i32
    "tpu.region"() ({
      %run_scoped3A = tpu.sem_alloc : memref<!tpu.dma_semaphore, #tpu.memory_space<semaphore_mem>>
      %dma_start3A_7 = tpu.memref_slice %arg3[%mul3A_2] : memref<2048xi32, #tpu.memory_space<hbm>> -> memref<64xi32, #tpu.memory_space<hbm>>
      %dma_start3A_8 = tpu.memref_slice %arg3[%mul3A_2] : memref<2048xi32, #tpu.memory_space<hbm>> -> memref<64xi32, #tpu.memory_space<hbm>>
      tpu.enqueue_dma source(%dma_start3A_8 : memref<64xi32, #tpu.memory_space<hbm>>) target(%arg5 : memref<64xi32, #tpu.memory_space<vmem>>) target_semaphore(%run_scoped3A : memref<!tpu.dma_semaphore, #tpu.memory_space<semaphore_mem>>)
      %dma_wait3A_9 = tpu.memref_slice %arg3[%mul3A_2] : memref<2048xi32, #tpu.memory_space<hbm>> -> memref<64xi32, #tpu.memory_space<hbm>>
      %dma_wait3A_10 = tpu.memref_slice %arg3[%mul3A_2] : memref<2048xi32, #tpu.memory_space<hbm>> -> memref<64xi32, #tpu.memory_space<hbm>>
      tpu.wait_dma2 semaphore(%run_scoped3A : memref<!tpu.dma_semaphore, #tpu.memory_space<semaphore_mem>>) src(%dma_wait3A_10 : memref<64xi32, #tpu.memory_space<hbm>>) dst(%arg5 : memref<64xi32, #tpu.memory_space<vmem>>)
      tpu.yield
    }) : () -> ()
    "tpu.region"() ({
      %run_scoped3A = tpu.sem_alloc : memref<!tpu.dma_semaphore, #tpu.memory_space<semaphore_mem>>
      %dma_start3A_7 = arith.constant 0 : i32
      %dma_start3A_8 = tpu.memref_slice %arg2[%mul3A_2, %dma_start3A_7] : memref<2048x256xf32, #tpu.memory_space<hbm>> -> memref<64x256xf32, #tpu.memory_space<hbm>>
      %dma_start3A_9 = arith.constant 0 : i32
      %dma_start3A_10 = tpu.memref_slice %arg2[%mul3A_2, %dma_start3A_9] : memref<2048x256xf32, #tpu.memory_space<hbm>> -> memref<64x256xf32, #tpu.memory_space<hbm>>
      tpu.enqueue_dma source(%dma_start3A_10 : memref<64x256xf32, #tpu.memory_space<hbm>>) target(%arg6 : memref<64x256xf32, #tpu.memory_space<vmem>>) target_semaphore(%run_scoped3A : memref<!tpu.dma_semaphore, #tpu.memory_space<semaphore_mem>>)
      %dma_wait3A_11 = arith.constant 0 : i32
      %dma_wait3A_12 = tpu.memref_slice %arg2[%mul3A_2, %dma_wait3A_11] : memref<2048x256xf32, #tpu.memory_space<hbm>> -> memref<64x256xf32, #tpu.memory_space<hbm>>
      %dma_wait3A_13 = arith.constant 0 : i32
      %dma_wait3A_14 = tpu.memref_slice %arg2[%mul3A_2, %dma_wait3A_13] : memref<2048x256xf32, #tpu.memory_space<hbm>> -> memref<64x256xf32, #tpu.memory_space<hbm>>
      tpu.wait_dma2 semaphore(%run_scoped3A : memref<!tpu.dma_semaphore, #tpu.memory_space<semaphore_mem>>) src(%dma_wait3A_14 : memref<64x256xf32, #tpu.memory_space<hbm>>) dst(%arg6 : memref<64x256xf32, #tpu.memory_space<vmem>>)
      tpu.yield
    }) : () -> ()
    %dma_start3A = arith.constant 0 : i32
    %dma_start3A_3 = arith.constant 0 : i32
    %dma_start3A_4 = tpu.memref_slice %arg4[%dma_start3A, %dma_start3A_3] : memref<2816x256xf32, #tpu.memory_space<hbm>> -> memref<2816x256xf32, #tpu.memory_space<hbm>>
    tpu.enqueue_indirect_dma source(%arg6 : memref<64x256xf32, #tpu.memory_space<vmem>>) target(%dma_start3A_4 : memref<2816x256xf32, #tpu.memory_space<hbm>>) offsets(%arg5 : memref<64xi32, #tpu.memory_space<vmem>>) semaphore(%arg7 : memref<!tpu.dma_semaphore, #tpu.memory_space<semaphore_mem>>)
    %dma_wait3A = arith.constant 0 : i32
    %dma_wait3A_5 = arith.constant 0 : i32
    %dma_wait3A_6 = tpu.memref_slice %arg4[%dma_wait3A, %dma_wait3A_5] : memref<2816x256xf32, #tpu.memory_space<hbm>> -> memref<2816x256xf32, #tpu.memory_space<hbm>>
    tpu.wait_indirect_dma semaphore(%arg7 : memref<!tpu.dma_semaphore, #tpu.memory_space<semaphore_mem>>) src(%arg6 : memref<64x256xf32, #tpu.memory_space<vmem>>) dst(%dma_wait3A_6 : memref<2816x256xf32, #tpu.memory_space<hbm>>)
    return
  }
}

#map = affine_map<(d0, d1) -> (0, 0)>
#map1 = affine_map<(d0, d1) -> (0)>
module attributes {stable_mosaic.version = 14 : i64} {
  func.func @k(%arg0: i32, %arg1: i32, %arg2: memref<2816x256xf32, #tpu.memory_space<hbm>>, %arg3: memref<2048xi32, #tpu.memory_space<hbm>>, %arg4: memref<2048x256xf32, #tpu.memory_space<hbm>>, %arg5: memref<64xi32, #tpu.memory_space<vmem>>, %arg6: memref<64x256xf32, #tpu.memory_space<vmem>>, %arg7: memref<!tpu.dma_semaphore, #tpu.memory_space<semaphore_mem>>) attributes {dimension_semantics = [#tpu.dimension_semantics<core_parallel>, #tpu.dimension_semantics<subcore_parallel>], iteration_bounds = array<i64: 2, 16>, scalar_prefetch = 0 : i64, scratch_operands = 3 : i64, tpu.core_type = #tpu.core_type<sc_vector_subcore>, window_params = [{transform_indices = #map}, {transform_indices = #map1}, {transform_indices = #map}]} {
    %mul3A = arith.constant 2 : i32
    %mul3A_0 = arith.muli %arg1, %mul3A : i32
    %add3A = arith.addi %mul3A_0, %arg0 : i32
    %mul3A_1 = arith.constant 64 : i32
    %mul3A_2 = arith.muli %add3A, %mul3A_1 : i32
    "tpu.region"() ({
      %run_scoped3A = tpu.sem_alloc : memref<!tpu.dma_semaphore, #tpu.memory_space<semaphore_mem>>
      %dma_start3A_7 = tpu.memref_slice %arg3[%mul3A_2] : memref<2048xi32, #tpu.memory_space<hbm>> -> memref<64xi32, #tpu.memory_space<hbm>>
      %dma_start3A_8 = tpu.memref_slice %arg3[%mul3A_2] : memref<2048xi32, #tpu.memory_space<hbm>> -> memref<64xi32, #tpu.memory_space<hbm>>
      tpu.enqueue_dma source(%dma_start3A_8 : memref<64xi32, #tpu.memory_space<hbm>>) target(%arg5 : memref<64xi32, #tpu.memory_space<vmem>>) target_semaphore(%run_scoped3A : memref<!tpu.dma_semaphore, #tpu.memory_space<semaphore_mem>>)
      %dma_wait3A_9 = tpu.memref_slice %arg3[%mul3A_2] : memref<2048xi32, #tpu.memory_space<hbm>> -> memref<64xi32, #tpu.memory_space<hbm>>
      %dma_wait3A_10 = tpu.memref_slice %arg3[%mul3A_2] : memref<2048xi32, #tpu.memory_space<hbm>> -> memref<64xi32, #tpu.memory_space<hbm>>
      tpu.wait_dma2 semaphore(%run_scoped3A : memref<!tpu.dma_semaphore, #tpu.memory_space<semaphore_mem>>) src(%dma_wait3A_10 : memref<64xi32, #tpu.memory_space<hbm>>) dst(%arg5 : memref<64xi32, #tpu.memory_space<vmem>>)
      tpu.yield
    }) : () -> ()
    %dma_start3A = arith.constant 0 : i32
    %dma_start3A_3 = arith.constant 0 : i32
    %dma_start3A_4 = tpu.memref_slice %arg2[%dma_start3A, %dma_start3A_3] : memref<2816x256xf32, #tpu.memory_space<hbm>> -> memref<2816x256xf32, #tpu.memory_space<hbm>>
    tpu.enqueue_indirect_dma source(%dma_start3A_4 : memref<2816x256xf32, #tpu.memory_space<hbm>>) target(%arg6 : memref<64x256xf32, #tpu.memory_space<vmem>>) offsets(%arg5 : memref<64xi32, #tpu.memory_space<vmem>>) semaphore(%arg7 : memref<!tpu.dma_semaphore, #tpu.memory_space<semaphore_mem>>)
    %dma_wait3A = arith.constant 0 : i32
    %dma_wait3A_5 = arith.constant 0 : i32
    %dma_wait3A_6 = tpu.memref_slice %arg2[%dma_wait3A, %dma_wait3A_5] : memref<2816x256xf32, #tpu.memory_space<hbm>> -> memref<2816x256xf32, #tpu.memory_space<hbm>>
    tpu.wait_indirect_dma semaphore(%arg7 : memref<!tpu.dma_semaphore, #tpu.memory_space<semaphore_mem>>) src(%dma_wait3A_6 : memref<2816x256xf32, #tpu.memory_space<hbm>>) dst(%arg6 : memref<64x256xf32, #tpu.memory_space<vmem>>)
    "tpu.region"() ({
      %run_scoped3A = tpu.sem_alloc : memref<!tpu.dma_semaphore, #tpu.memory_space<semaphore_mem>>
      %dma_start3A_7 = arith.constant 0 : i32
      %dma_start3A_8 = tpu.memref_slice %arg4[%mul3A_2, %dma_start3A_7] : memref<2048x256xf32, #tpu.memory_space<hbm>> -> memref<64x256xf32, #tpu.memory_space<hbm>>
      %dma_start3A_9 = arith.constant 0 : i32
      %dma_start3A_10 = tpu.memref_slice %arg4[%mul3A_2, %dma_start3A_9] : memref<2048x256xf32, #tpu.memory_space<hbm>> -> memref<64x256xf32, #tpu.memory_space<hbm>>
      tpu.enqueue_dma source(%arg6 : memref<64x256xf32, #tpu.memory_space<vmem>>) target(%dma_start3A_10 : memref<64x256xf32, #tpu.memory_space<hbm>>) target_semaphore(%run_scoped3A : memref<!tpu.dma_semaphore, #tpu.memory_space<semaphore_mem>>)
      %dma_wait3A_11 = arith.constant 0 : i32
      %dma_wait3A_12 = tpu.memref_slice %arg4[%mul3A_2, %dma_wait3A_11] : memref<2048x256xf32, #tpu.memory_space<hbm>> -> memref<64x256xf32, #tpu.memory_space<hbm>>
      %dma_wait3A_13 = arith.constant 0 : i32
      %dma_wait3A_14 = tpu.memref_slice %arg4[%mul3A_2, %dma_wait3A_13] : memref<2048x256xf32, #tpu.memory_space<hbm>> -> memref<64x256xf32, #tpu.memory_space<hbm>>
      tpu.wait_dma2 semaphore(%run_scoped3A : memref<!tpu.dma_semaphore, #tpu.memory_space<semaphore_mem>>) src(%arg6 : memref<64x256xf32, #tpu.memory_space<vmem>>) dst(%dma_wait3A_14 : memref<64x256xf32, #tpu.memory_space<hbm>>)
      tpu.yield
    }) : () -> ()
    return
  }
}

module attributes {stable_mosaic.version = 14 : i64} {
  func.func @_k12_body(%arg0: i32, %arg1: memref<256x3xf32, #tpu.memory_space<vmem>>, %arg2: memref<3x64xf32, #tpu.memory_space<vmem>>, %arg3: memref<256x1024xf32, #tpu.memory_space<vmem>>, %arg4: memref<256x1024xf32, #tpu.memory_space<vmem>>, %arg5: memref<1x256xf32, #tpu.memory_space<vmem>>, %arg6: memref<256x128xf32, #tpu.memory_space<vmem>>, %arg7: memref<1x256xf32, #tpu.memory_space<vmem>>, %arg8: memref<768x256xf32, #tpu.memory_space<vmem>>, %arg9: memref<1x768xf32, #tpu.memory_space<vmem>>, %arg10: memref<256x1xf32, #tpu.memory_space<vmem>>, %arg11: memref<256x256xf32, #tpu.memory_space<vmem>>, %arg12: memref<1x256xf32, #tpu.memory_space<vmem>>, %arg13: memref<1x256xf32, #tpu.memory_space<vmem>>, %arg14: memref<1x256xf32, #tpu.memory_space<vmem>>, %arg15: memref<4x257xf32, #tpu.memory_space<vmem>>, %arg16: memref<1x4xf32, #tpu.memory_space<vmem>>, %arg17: memref<256x256xf32, #tpu.memory_space<vmem>>, %arg18: memref<256x4xf32, #tpu.memory_space<vmem>>, %arg19: memref<256x1xf32, #tpu.memory_space<vmem>>, %arg20: memref<2048x1xi32, #tpu.memory_space<vmem>>, %arg21: memref<1x4xi32, #tpu.memory_space<vmem>>, %arg22: memref<2048x256xf32, #tpu.memory_space<vmem>>, %arg23: memref<4x2048x64xbf16, #tpu.memory_space<vmem>>, %arg24: memref<4x2048x64xbf16, #tpu.memory_space<vmem>>, %arg25: memref<4x2048x128xbf16, #tpu.memory_space<vmem>>, %arg26: memref<2048x1xi32, #tpu.memory_space<vmem>>) attributes {dimension_semantics = [#tpu.dimension_semantics<arbitrary>], iteration_bounds = array<i64: 16>, scalar_prefetch = 0 : i64, scratch_operands = 5 : i64, tpu.core_type = #tpu.core_type<tc>, window_params = [{transform_indices = @transform_0, window_bounds = array<i64: 256, 3>}, {pipeline_mode = #tpu.pipeline_mode<synchronous>, transform_indices = @transform_1, window_bounds = array<i64: 3, 64>}, {transform_indices = @transform_2, window_bounds = array<i64: 256, 1024>}, {pipeline_mode = #tpu.pipeline_mode<synchronous>, transform_indices = @transform_3, window_bounds = array<i64: 256, 1024>}, {pipeline_mode = #tpu.pipeline_mode<synchronous>, transform_indices = @transform_4, window_bounds = array<i64: 1, 256>}, {pipeline_mode = #tpu.pipeline_mode<synchronous>, transform_indices = @transform_5, window_bounds = array<i64: 256, 128>}, {pipeline_mode = #tpu.pipeline_mode<synchronous>, transform_indices = @transform_6, window_bounds = array<i64: 1, 256>}, {pipeline_mode = #tpu.pipeline_mode<synchronous>, transform_indices = @transform_7, window_bounds = array<i64: 768, 256>}, {pipeline_mode = #tpu.pipeline_mode<synchronous>, transform_indices = @transform_8, window_bounds = array<i64: 1, 768>}, {transform_indices = @transform_9, window_bounds = array<i64: 256, 1>}, {pipeline_mode = #tpu.pipeline_mode<synchronous>, transform_indices = @transform_10, window_bounds = array<i64: 256, 256>}, {pipeline_mode = #tpu.pipeline_mode<synchronous>, transform_indices = @transform_11, window_bounds = array<i64: 1, 256>}, {pipeline_mode = #tpu.pipeline_mode<synchronous>, transform_indices = @transform_12, window_bounds = array<i64: 1, 256>}, {pipeline_mode = #tpu.pipeline_mode<synchronous>, transform_indices = @transform_13, window_bounds = array<i64: 1, 256>}, {pipeline_mode = #tpu.pipeline_mode<synchronous>, transform_indices = @transform_14, window_bounds = array<i64: 4, 257>}, {pipeline_mode = #tpu.pipeline_mode<synchronous>, transform_indices = @transform_15, window_bounds = array<i64: 1, 4>}, {transform_indices = @transform_16, window_bounds = array<i64: 256, 256>}, {transform_indices = @transform_17, window_bounds = array<i64: 256, 4>}, {transform_indices = @transform_18, window_bounds = array<i64: 256, 1>}, {pipeline_mode = #tpu.pipeline_mode<synchronous>, transform_indices = @transform_19, window_bounds = array<i64: 2048, 1>}, {pipeline_mode = #tpu.pipeline_mode<synchronous>, transform_indices = @transform_20, window_bounds = array<i64: 1, 4>}]} {
    %lt3A = arith.constant 8 : i32
    %lt3A_0 = arith.cmpi slt, %arg0, %lt3A : i32
    %convert_element_type3A = arith.extui %lt3A_0 : i1 to i32
    %cond3A = arith.constant 0 : i32
    %cond3A_1 = arith.cmpi ne, %convert_element_type3A, %cond3A : i32
    scf.if %cond3A_1 {
      %get3A = arith.constant 0 : index
      %get3A_6 = arith.constant 0 : index
      %get3A_7 = vector.load %arg1[%get3A, %get3A_6] : memref<256x3xf32, #tpu.memory_space<vmem>>, vector<256x3xf32>
      %get3A_8 = arith.constant 0 : index
      %get3A_9 = arith.constant 0 : index
      %get3A_10 = vector.load %arg2[%get3A_8, %get3A_9] : memref<3x64xf32, #tpu.memory_space<vmem>>, vector<3x64xf32>
      %dot_general3A = arith.constant dense<0.000000e+00> : vector<256x64xf32>
      %dot_general3A_11 = tpu.matmul %get3A_7, %get3A_10, %dot_general3A {dimension_numbers = #tpu.dot_dimension_numbers<[1], [0], [0], [1], [0, 0, 1, 1], [], []>, transpose_lhs_hint = false} : vector<256x3xf32>, vector<3x64xf32>, vector<256x64xf32> -> vector<256x64xf32>
      %mul3A = arith.constant 6.28318548 : f32
      %mul3A_12 = vector.broadcast %mul3A : f32 to vector<256x64xf32>
      %mul3A_13 = arith.mulf %mul3A_12, %dot_general3A_11 : vector<256x64xf32>
      %sin3A = math.sin %mul3A_13 : vector<256x64xf32>
      %cos3A = math.cos %mul3A_13 : vector<256x64xf32>
      %concatenate3A = tpu.concatenate %sin3A, %cos3A in 1 : vector<256x64xf32>, vector<256x64xf32> -> vector<256x128xf32>
      %get3A_14 = arith.constant 0 : index
      %get3A_15 = arith.constant 0 : index
      %get3A_16 = vector.load %arg3[%get3A_14, %get3A_15] : memref<256x1024xf32, #tpu.memory_space<vmem>>, vector<256x1024xf32>
      %get3A_17 = arith.constant 0 : index
      %get3A_18 = arith.constant 0 : index
      %get3A_19 = vector.load %arg4[%get3A_17, %get3A_18] : memref<256x1024xf32, #tpu.memory_space<vmem>>, vector<256x1024xf32>
      %convert_element_type3A_20 = arith.truncf %get3A_19 : vector<256x1024xf32> to vector<256x1024xbf16>
      %convert_element_type3A_21 = arith.truncf %get3A_16 : vector<256x1024xf32> to vector<256x1024xbf16>
      %dot_general3A_22 = arith.constant dense<0.000000e+00> : vector<256x256xf32>
      %dot_general3A_23 = tpu.matmul %convert_element_type3A_21, %convert_element_type3A_20, %dot_general3A_22 {dimension_numbers = #tpu.dot_dimension_numbers<[1], [1], [0], [0], [0, 0, 1, 0], [], []>, transpose_lhs_hint = false} : vector<256x1024xbf16>, vector<256x1024xbf16>, vector<256x256xf32> -> vector<256x256xf32>
      %get3A_24 = arith.constant 0 : index
      %get3A_25 = arith.constant 0 : index
      %get3A_26 = vector.load %arg5[%get3A_24, %get3A_25] : memref<1x256xf32, #tpu.memory_space<vmem>>, vector<1x256xf32>
      %add3A = vector.broadcast %get3A_26 : vector<1x256xf32> to vector<256x256xf32>
      %add3A_27 = arith.addf %dot_general3A_23, %add3A : vector<256x256xf32>
      %get3A_28 = arith.constant 0 : index
      %get3A_29 = arith.constant 0 : index
      %get3A_30 = vector.load %arg6[%get3A_28, %get3A_29] : memref<256x128xf32, #tpu.memory_space<vmem>>, vector<256x128xf32>
      %convert_element_type3A_31 = arith.truncf %get3A_30 : vector<256x128xf32> to vector<256x128xbf16>
      %convert_element_type3A_32 = arith.truncf %concatenate3A : vector<256x128xf32> to vector<256x128xbf16>
      %dot_general3A_33 = arith.constant dense<0.000000e+00> : vector<256x256xf32>
      %dot_general3A_34 = tpu.matmul %convert_element_type3A_32, %convert_element_type3A_31, %dot_general3A_33 {dimension_numbers = #tpu.dot_dimension_numbers<[1], [1], [0], [0], [0, 0, 1, 0], [], []>, transpose_lhs_hint = false} : vector<256x128xbf16>, vector<256x128xbf16>, vector<256x256xf32> -> vector<256x256xf32>
      %add3A_35 = arith.addf %add3A_27, %dot_general3A_34 : vector<256x256xf32>
      %get3A_36 = arith.constant 0 : index
      %get3A_37 = arith.constant 0 : index
      %get3A_38 = vector.load %arg7[%get3A_36, %get3A_37] : memref<1x256xf32, #tpu.memory_space<vmem>>, vector<1x256xf32>
      %add3A_39 = vector.broadcast %get3A_38 : vector<1x256xf32> to vector<256x256xf32>
      %add3A_40 = arith.addf %add3A_35, %add3A_39 : vector<256x256xf32>
      %mul3A_41 = arith.constant 256 : i32
      %mul3A_42 = arith.muli %arg0, %mul3A_41 : i32
      %swap3A = arith.index_cast %mul3A_42 : i32 to index
      %swap3A_43 = arith.constant 0 : index
      %swap3A_44 = vector.load %arg22[%swap3A, %swap3A_43] : memref<2048x256xf32, #tpu.memory_space<vmem>>, vector<256x256xf32>
      tpu.vector_store %arg22[%swap3A, %swap3A_43], %add3A_40 {strides = array<i32>} : memref<2048x256xf32, #tpu.memory_space<vmem>>, vector<256x256xf32>,
      %get3A_45 = arith.constant 0 : index
      %get3A_46 = arith.constant 0 : index
      %get3A_47 = vector.load %arg8[%get3A_45, %get3A_46] : memref<768x256xf32, #tpu.memory_space<vmem>>, vector<768x256xf32>
      %convert_element_type3A_48 = arith.truncf %get3A_47 : vector<768x256xf32> to vector<768x256xbf16>
      %convert_element_type3A_49 = arith.truncf %add3A_40 : vector<256x256xf32> to vector<256x256xbf16>
      %dot_general3A_50 = arith.constant dense<0.000000e+00> : vector<256x768xf32>
      %dot_general3A_51 = tpu.matmul %convert_element_type3A_49, %convert_element_type3A_48, %dot_general3A_50 {dimension_numbers = #tpu.dot_dimension_numbers<[1], [1], [0], [0], [0, 0, 1, 0], [], []>, transpose_lhs_hint = false} : vector<256x256xbf16>, vector<768x256xbf16>, vector<256x768xf32> -> vector<256x768xf32>
      %get3A_52 = arith.constant 0 : index
      %get3A_53 = arith.constant 0 : index
      %get3A_54 = vector.load %arg9[%get3A_52, %get3A_53] : memref<1x768xf32, #tpu.memory_space<vmem>>, vector<1x768xf32>
      %add3A_55 = vector.broadcast %get3A_54 : vector<1x768xf32> to vector<256x768xf32>
      %add3A_56 = arith.addf %dot_general3A_51, %add3A_55 : vector<256x768xf32>
      %convert_element_type3A_57 = arith.truncf %add3A_56 : vector<256x768xf32> to vector<256x768xbf16>
      %broadcast_in_dim3A = arith.constant 1.000000e+00 : bf16
      %broadcast_in_dim3A_58 = vector.broadcast %broadcast_in_dim3A : bf16 to vector<256x64xbf16>
      %slice3A = vector.extract_strided_slice %convert_element_type3A_57 {offsets = [0, 0], sizes = [256, 64], strides = [1, 1]} : vector<256x768xbf16> to vector<256x64xbf16>
      %mul3A_59 = arith.constant 1.250000e-01 : bf16
      %mul3A_60 = vector.broadcast %mul3A_59 : bf16 to vector<256x64xbf16>
      %mul3A_61 = arith.mulf %slice3A, %mul3A_60 : vector<256x64xbf16>
      %mul3A_62 = arith.constant 256 : i32
      %mul3A_63 = arith.muli %arg0, %mul3A_62 : i32
      %swap3A_64 = arith.constant 0 : index
      %swap3A_65 = arith.index_cast %mul3A_63 : i32 to index
      %swap3A_66 = arith.constant 0 : index
      %swap3A_67 = vector.load %arg23[%swap3A_64, %swap3A_65, %swap3A_66] : memref<4x2048x64xbf16, #tpu.memory_space<vmem>>, vector<1x256x64xbf16>
      %swap3A_68 = vector.shape_cast %swap3A_67 : vector<1x256x64xbf16> to vector<256x64xbf16>
      %swap3A_69 = vector.shape_cast %mul3A_61 : vector<256x64xbf16> to vector<1x256x64xbf16>
      tpu.vector_store %arg23[%swap3A_64, %swap3A_65, %swap3A_66], %swap3A_69 {strides = array<i32>} : memref<4x2048x64xbf16, #tpu.memory_space<vmem>>, vector<1x256x64xbf16>,
      %slice3A_70 = vector.extract_strided_slice %convert_element_type3A_57 {offsets = [0, 256], sizes = [256, 64], strides = [1, 1]} : vector<256x768xbf16> to vector<256x64xbf16>
      %mul3A_71 = arith.constant 256 : i32
      %mul3A_72 = arith.muli %arg0, %mul3A_71 : i32
      %swap3A_73 = arith.constant 0 : index
      %swap3A_74 = arith.index_cast %mul3A_72 : i32 to index
      %swap3A_75 = arith.constant 0 : index
      %swap3A_76 = vector.load %arg24[%swap3A_73, %swap3A_74, %swap3A_75] : memref<4x2048x64xbf16, #tpu.memory_space<vmem>>, vector<1x256x64xbf16>
      %swap3A_77 = vector.shape_cast %swap3A_76 : vector<1x256x64xbf16> to vector<256x64xbf16>
      %swap3A_78 = vector.shape_cast %slice3A_70 : vector<256x64xbf16> to vector<1x256x64xbf16>
      tpu.vector_store %arg24[%swap3A_73, %swap3A_74, %swap3A_75], %swap3A_78 {strides = array<i32>} : memref<4x2048x64xbf16, #tpu.memory_space<vmem>>, vector<1x256x64xbf16>,
      %slice3A_79 = vector.extract_strided_slice %convert_element_type3A_57 {offsets = [0, 512], sizes = [256, 64], strides = [1, 1]} : vector<256x768xbf16> to vector<256x64xbf16>
      %concatenate3A_80 = tpu.concatenate %slice3A_79, %broadcast_in_dim3A_58 in 1 : vector<256x64xbf16>, vector<256x64xbf16> -> vector<256x128xbf16>
      %mul3A_81 = arith.constant 256 : i32
      %mul3A_82 = arith.muli %arg0, %mul3A_81 : i32
      %swap3A_83 = arith.constant 0 : index
      %swap3A_84 = arith.index_cast %mul3A_82 : i32 to index
      %swap3A_85 = arith.constant 0 : index
      %swap3A_86 = vector.load %arg25[%swap3A_83, %swap3A_84, %swap3A_85] : memref<4x2048x128xbf16, #tpu.memory_space<vmem>>, vector<1x256x128xbf16>
      %swap3A_87 = vector.shape_cast %swap3A_86 : vector<1x256x128xbf16> to vector<256x128xbf16>
      %swap3A_88 = vector.shape_cast %concatenate3A_80 : vector<256x128xbf16> to vector<1x256x128xbf16>
      tpu.vector_store %arg25[%swap3A_83, %swap3A_84, %swap3A_85], %swap3A_88 {strides = array<i32>} : memref<4x2048x128xbf16, #tpu.memory_space<vmem>>, vector<1x256x128xbf16>,
      %slice3A_89 = vector.extract_strided_slice %convert_element_type3A_57 {offsets = [0, 64], sizes = [256, 64], strides = [1, 1]} : vector<256x768xbf16> to vector<256x64xbf16>
      %mul3A_90 = arith.constant 1.250000e-01 : bf16
      %mul3A_91 = vector.broadcast %mul3A_90 : bf16 to vector<256x64xbf16>
      %mul3A_92 = arith.mulf %slice3A_89, %mul3A_91 : vector<256x64xbf16>
      %mul3A_93 = arith.constant 256 : i32
      %mul3A_94 = arith.muli %arg0, %mul3A_93 : i32
      %swap3A_95 = arith.constant 1 : index
      %swap3A_96 = arith.index_cast %mul3A_94 : i32 to index
      %swap3A_97 = arith.constant 0 : index
      %swap3A_98 = vector.load %arg23[%swap3A_95, %swap3A_96, %swap3A_97] : memref<4x2048x64xbf16, #tpu.memory_space<vmem>>, vector<1x256x64xbf16>
      %swap3A_99 = vector.shape_cast %swap3A_98 : vector<1x256x64xbf16> to vector<256x64xbf16>
      %swap3A_100 = vector.shape_cast %mul3A_92 : vector<256x64xbf16> to vector<1x256x64xbf16>
      tpu.vector_store %arg23[%swap3A_95, %swap3A_96, %swap3A_97], %swap3A_100 {strides = array<i32>} : memref<4x2048x64xbf16, #tpu.memory_space<vmem>>, vector<1x256x64xbf16>,
      %slice3A_101 = vector.extract_strided_slice %convert_element_type3A_57 {offsets = [0, 320], sizes = [256, 64], strides = [1, 1]} : vector<256x768xbf16> to vector<256x64xbf16>
      %mul3A_102 = arith.constant 256 : i32
      %mul3A_103 = arith.muli %arg0, %mul3A_102 : i32
      %swap3A_104 = arith.constant 1 : index
      %swap3A_105 = arith.index_cast %mul3A_103 : i32 to index
      %swap3A_106 = arith.constant 0 : index
      %swap3A_107 = vector.load %arg24[%swap3A_104, %swap3A_105, %swap3A_106] : memref<4x2048x64xbf16, #tpu.memory_space<vmem>>, vector<1x256x64xbf16>
      %swap3A_108 = vector.shape_cast %swap3A_107 : vector<1x256x64xbf16> to vector<256x64xbf16>
      %swap3A_109 = vector.shape_cast %slice3A_101 : vector<256x64xbf16> to vector<1x256x64xbf16>
      tpu.vector_store %arg24[%swap3A_104, %swap3A_105, %swap3A_106], %swap3A_109 {strides = array<i32>} : memref<4x2048x64xbf16, #tpu.memory_space<vmem>>, vector<1x256x64xbf16>,
      %slice3A_110 = vector.extract_strided_slice %convert_element_type3A_57 {offsets = [0, 576], sizes = [256, 64], strides = [1, 1]} : vector<256x768xbf16> to vector<256x64xbf16>
      %concatenate3A_111 = tpu.concatenate %slice3A_110, %broadcast_in_dim3A_58 in 1 : vector<256x64xbf16>, vector<256x64xbf16> -> vector<256x128xbf16>
      %mul3A_112 = arith.constant 256 : i32
      %mul3A_113 = arith.muli %arg0, %mul3A_112 : i32
      %swap3A_114 = arith.constant 1 : index
      %swap3A_115 = arith.index_cast %mul3A_113 : i32 to index
      %swap3A_116 = arith.constant 0 : index
      %swap3A_117 = vector.load %arg25[%swap3A_114, %swap3A_115, %swap3A_116] : memref<4x2048x128xbf16, #tpu.memory_space<vmem>>, vector<1x256x128xbf16>
      %swap3A_118 = vector.shape_cast %swap3A_117 : vector<1x256x128xbf16> to vector<256x128xbf16>
      %swap3A_119 = vector.shape_cast %concatenate3A_111 : vector<256x128xbf16> to vector<1x256x128xbf16>
      tpu.vector_store %arg25[%swap3A_114, %swap3A_115, %swap3A_116], %swap3A_119 {strides = array<i32>} : memref<4x2048x128xbf16, #tpu.memory_space<vmem>>, vector<1x256x128xbf16>,
      %slice3A_120 = vector.extract_strided_slice %convert_element_type3A_57 {offsets = [0, 128], sizes = [256, 64], strides = [1, 1]} : vector<256x768xbf16> to vector<256x64xbf16>
      %mul3A_121 = arith.constant 1.250000e-01 : bf16
      %mul3A_122 = vector.broadcast %mul3A_121 : bf16 to vector<256x64xbf16>
      %mul3A_123 = arith.mulf %slice3A_120, %mul3A_122 : vector<256x64xbf16>
      %mul3A_124 = arith.constant 256 : i32
      %mul3A_125 = arith.muli %arg0, %mul3A_124 : i32
      %swap3A_126 = arith.constant 2 : index
      %swap3A_127 = arith.index_cast %mul3A_125 : i32 to index
      %swap3A_128 = arith.constant 0 : index
      %swap3A_129 = vector.load %arg23[%swap3A_126, %swap3A_127, %swap3A_128] : memref<4x2048x64xbf16, #tpu.memory_space<vmem>>, vector<1x256x64xbf16>
      %swap3A_130 = vector.shape_cast %swap3A_129 : vector<1x256x64xbf16> to vector<256x64xbf16>
      %swap3A_131 = vector.shape_cast %mul3A_123 : vector<256x64xbf16> to vector<1x256x64xbf16>
      tpu.vector_store %arg23[%swap3A_126, %swap3A_127, %swap3A_128], %swap3A_131 {strides = array<i32>} : memref<4x2048x64xbf16, #tpu.memory_space<vmem>>, vector<1x256x64xbf16>,
      %slice3A_132 = vector.extract_strided_slice %convert_element_type3A_57 {offsets = [0, 384], sizes = [256, 64], strides = [1, 1]} : vector<256x768xbf16> to vector<256x64xbf16>
      %mul3A_133 = arith.constant 256 : i32
      %mul3A_134 = arith.muli %arg0, %mul3A_133 : i32
      %swap3A_135 = arith.constant 2 : index
      %swap3A_136 = arith.index_cast %mul3A_134 : i32 to index
      %swap3A_137 = arith.constant 0 : index
      %swap3A_138 = vector.load %arg24[%swap3A_135, %swap3A_136, %swap3A_137] : memref<4x2048x64xbf16, #tpu.memory_space<vmem>>, vector<1x256x64xbf16>
      %swap3A_139 = vector.shape_cast %swap3A_138 : vector<1x256x64xbf16> to vector<256x64xbf16>
      %swap3A_140 = vector.shape_cast %slice3A_132 : vector<256x64xbf16> to vector<1x256x64xbf16>
      tpu.vector_store %arg24[%swap3A_135, %swap3A_136, %swap3A_137], %swap3A_140 {strides = array<i32>} : memref<4x2048x64xbf16, #tpu.memory_space<vmem>>, vector<1x256x64xbf16>,
      %slice3A_141 = vector.extract_strided_slice %convert_element_type3A_57 {offsets = [0, 640], sizes = [256, 64], strides = [1, 1]} : vector<256x768xbf16> to vector<256x64xbf16>
      %concatenate3A_142 = tpu.concatenate %slice3A_141, %broadcast_in_dim3A_58 in 1 : vector<256x64xbf16>, vector<256x64xbf16> -> vector<256x128xbf16>
      %mul3A_143 = arith.constant 256 : i32
      %mul3A_144 = arith.muli %arg0, %mul3A_143 : i32
      %swap3A_145 = arith.constant 2 : index
      %swap3A_146 = arith.index_cast %mul3A_144 : i32 to index
      %swap3A_147 = arith.constant 0 : index
      %swap3A_148 = vector.load %arg25[%swap3A_145, %swap3A_146, %swap3A_147] : memref<4x2048x128xbf16, #tpu.memory_space<vmem>>, vector<1x256x128xbf16>
      %swap3A_149 = vector.shape_cast %swap3A_148 : vector<1x256x128xbf16> to vector<256x128xbf16>
      %swap3A_150 = vector.shape_cast %concatenate3A_142 : vector<256x128xbf16> to vector<1x256x128xbf16>
      tpu.vector_store %arg25[%swap3A_145, %swap3A_146, %swap3A_147], %swap3A_150 {strides = array<i32>} : memref<4x2048x128xbf16, #tpu.memory_space<vmem>>, vector<1x256x128xbf16>,
      %slice3A_151 = vector.extract_strided_slice %convert_element_type3A_57 {offsets = [0, 192], sizes = [256, 64], strides = [1, 1]} : vector<256x768xbf16> to vector<256x64xbf16>
      %mul3A_152 = arith.constant 1.250000e-01 : bf16
      %mul3A_153 = vector.broadcast %mul3A_152 : bf16 to vector<256x64xbf16>
      %mul3A_154 = arith.mulf %slice3A_151, %mul3A_153 : vector<256x64xbf16>
      %mul3A_155 = arith.constant 256 : i32
      %mul3A_156 = arith.muli %arg0, %mul3A_155 : i32
      %swap3A_157 = arith.constant 3 : index
      %swap3A_158 = arith.index_cast %mul3A_156 : i32 to index
      %swap3A_159 = arith.constant 0 : index
      %swap3A_160 = vector.load %arg23[%swap3A_157, %swap3A_158, %swap3A_159] : memref<4x2048x64xbf16, #tpu.memory_space<vmem>>, vector<1x256x64xbf16>
      %swap3A_161 = vector.shape_cast %swap3A_160 : vector<1x256x64xbf16> to vector<256x64xbf16>
      %swap3A_162 = vector.shape_cast %mul3A_154 : vector<256x64xbf16> to vector<1x256x64xbf16>
      tpu.vector_store %arg23[%swap3A_157, %swap3A_158, %swap3A_159], %swap3A_162 {strides = array<i32>} : memref<4x2048x64xbf16, #tpu.memory_space<vmem>>, vector<1x256x64xbf16>,
      %slice3A_163 = vector.extract_strided_slice %convert_element_type3A_57 {offsets = [0, 448], sizes = [256, 64], strides = [1, 1]} : vector<256x768xbf16> to vector<256x64xbf16>
      %mul3A_164 = arith.constant 256 : i32
      %mul3A_165 = arith.muli %arg0, %mul3A_164 : i32
      %swap3A_166 = arith.constant 3 : index
      %swap3A_167 = arith.index_cast %mul3A_165 : i32 to index
      %swap3A_168 = arith.constant 0 : index
      %swap3A_169 = vector.load %arg24[%swap3A_166, %swap3A_167, %swap3A_168] : memref<4x2048x64xbf16, #tpu.memory_space<vmem>>, vector<1x256x64xbf16>
      %swap3A_170 = vector.shape_cast %swap3A_169 : vector<1x256x64xbf16> to vector<256x64xbf16>
      %swap3A_171 = vector.shape_cast %slice3A_163 : vector<256x64xbf16> to vector<1x256x64xbf16>
      tpu.vector_store %arg24[%swap3A_166, %swap3A_167, %swap3A_168], %swap3A_171 {strides = array<i32>} : memref<4x2048x64xbf16, #tpu.memory_space<vmem>>, vector<1x256x64xbf16>,
      %slice3A_172 = vector.extract_strided_slice %convert_element_type3A_57 {offsets = [0, 704], sizes = [256, 64], strides = [1, 1]} : vector<256x768xbf16> to vector<256x64xbf16>
      %concatenate3A_173 = tpu.concatenate %slice3A_172, %broadcast_in_dim3A_58 in 1 : vector<256x64xbf16>, vector<256x64xbf16> -> vector<256x128xbf16>
      %mul3A_174 = arith.constant 256 : i32
      %mul3A_175 = arith.muli %arg0, %mul3A_174 : i32
      %swap3A_176 = arith.constant 3 : index
      %swap3A_177 = arith.index_cast %mul3A_175 : i32 to index
      %swap3A_178 = arith.constant 0 : index
      %swap3A_179 = vector.load %arg25[%swap3A_176, %swap3A_177, %swap3A_178] : memref<4x2048x128xbf16, #tpu.memory_space<vmem>>, vector<1x256x128xbf16>
      %swap3A_180 = vector.shape_cast %swap3A_179 : vector<1x256x128xbf16> to vector<256x128xbf16>
      %swap3A_181 = vector.shape_cast %concatenate3A_173 : vector<256x128xbf16> to vector<1x256x128xbf16>
      tpu.vector_store %arg25[%swap3A_176, %swap3A_177, %swap3A_178], %swap3A_181 {strides = array<i32>} : memref<4x2048x128xbf16, #tpu.memory_space<vmem>>, vector<1x256x128xbf16>,
    } else {
    }
    %ge3A = arith.constant 8 : i32
    %ge3A_2 = arith.cmpi sge, %arg0, %ge3A : i32
    %convert_element_type3A_3 = arith.extui %ge3A_2 : i1 to i32
    %cond3A_4 = arith.constant 0 : i32
    %cond3A_5 = arith.cmpi ne, %convert_element_type3A_3, %cond3A_4 : i32
    scf.if %cond3A_5 {
      %sub3A = arith.constant 8 : i32
      %sub3A_6 = arith.subi %arg0, %sub3A : i32
      %mul3A = arith.constant 256 : i32
      %mul3A_7 = arith.muli %sub3A_6, %mul3A : i32
      %get3A = arith.constant 0 : index
      %get3A_8 = arith.index_cast %mul3A_7 : i32 to index
      %get3A_9 = arith.constant 0 : index
      %get3A_10 = vector.load %arg23[%get3A, %get3A_8, %get3A_9] : memref<4x2048x64xbf16, #tpu.memory_space<vmem>>, vector<1x256x64xbf16>
      %get3A_11 = vector.shape_cast %get3A_10 : vector<1x256x64xbf16> to vector<256x64xbf16>
      %get3A_12 = arith.constant 0 : index
      %get3A_13 = arith.constant 0 : index
      %get3A_14 = arith.constant 0 : index
      %get3A_15 = vector.load %arg24[%get3A_12, %get3A_13, %get3A_14] : memref<4x2048x64xbf16, #tpu.memory_space<vmem>>, vector<1x2048x64xbf16>
      %get3A_16 = vector.shape_cast %get3A_15 : vector<1x2048x64xbf16> to vector<2048x64xbf16>
      %dot_general3A = arith.constant dense<0.000000e+00> : vector<256x2048xf32>
      %dot_general3A_17 = tpu.matmul %get3A_11, %get3A_16, %dot_general3A {dimension_numbers = #tpu.dot_dimension_numbers<[1], [1], [0], [0], [0, 0, 1, 0], [], []>, transpose_lhs_hint = false} : vector<256x64xbf16>, vector<2048x64xbf16>, vector<256x2048xf32> -> vector<256x2048xf32>
      %convert_element_type3A_18 = arith.truncf %dot_general3A_17 : vector<256x2048xf32> to vector<256x2048xbf16>
      %exp3A = math.exp %convert_element_type3A_18 : vector<256x2048xbf16>
      %get3A_19 = arith.constant 0 : index
      %get3A_20 = arith.constant 0 : index
      %get3A_21 = arith.constant 0 : index
      %get3A_22 = vector.load %arg25[%get3A_19, %get3A_20, %get3A_21] : memref<4x2048x128xbf16, #tpu.memory_space<vmem>>, vector<1x2048x128xbf16>
      %get3A_23 = vector.shape_cast %get3A_22 : vector<1x2048x128xbf16> to vector<2048x128xbf16>
      %dot_general3A_24 = arith.constant dense<0.000000e+00> : vector<256x128xf32>
      %dot_general3A_25 = tpu.matmul %exp3A, %get3A_23, %dot_general3A_24 {dimension_numbers = #tpu.dot_dimension_numbers<[1], [0], [0], [1], [0, 0, 1, 1], [], []>, transpose_lhs_hint = false} : vector<256x2048xbf16>, vector<2048x128xbf16>, vector<256x128xf32> -> vector<256x128xf32>
      %slice3A = vector.extract_strided_slice %dot_general3A_25 {offsets = [0, 0], sizes = [256, 64], strides = [1, 1]} : vector<256x128xf32> to vector<256x64xf32>
      %slice3A_26 = vector.extract_strided_slice %dot_general3A_25 {offsets = [0, 64], sizes = [256, 1], strides = [1, 1]} : vector<256x128xf32> to vector<256x1xf32>
      %div3A = arith.constant 1.000000e+00 : f32
      %div3A_27 = vector.broadcast %div3A : f32 to vector<256x1xf32>
      %div3A_28 = arith.divf %div3A_27, %slice3A_26 : vector<256x1xf32>
      %mul3A_29 = vector.broadcast %div3A_28 : vector<256x1xf32> to vector<256x64xf32>
      %mul3A_30 = arith.mulf %slice3A, %mul3A_29 : vector<256x64xf32>
      %mul3A_31 = arith.constant 256 : i32
      %mul3A_32 = arith.muli %sub3A_6, %mul3A_31 : i32
      %get3A_33 = arith.constant 1 : index
      %get3A_34 = arith.index_cast %mul3A_32 : i32 to index
      %get3A_35 = arith.constant 0 : index
      %get3A_36 = vector.load %arg23[%get3A_33, %get3A_34, %get3A_35] : memref<4x2048x64xbf16, #tpu.memory_space<vmem>>, vector<1x256x64xbf16>
      %get3A_37 = vector.shape_cast %get3A_36 : vector<1x256x64xbf16> to vector<256x64xbf16>
      %get3A_38 = arith.constant 1 : index
      %get3A_39 = arith.constant 0 : index
      %get3A_40 = arith.constant 0 : index
      %get3A_41 = vector.load %arg24[%get3A_38, %get3A_39, %get3A_40] : memref<4x2048x64xbf16, #tpu.memory_space<vmem>>, vector<1x2048x64xbf16>
      %get3A_42 = vector.shape_cast %get3A_41 : vector<1x2048x64xbf16> to vector<2048x64xbf16>
      %dot_general3A_43 = arith.constant dense<0.000000e+00> : vector<256x2048xf32>
      %dot_general3A_44 = tpu.matmul %get3A_37, %get3A_42, %dot_general3A_43 {dimension_numbers = #tpu.dot_dimension_numbers<[1], [1], [0], [0], [0, 0, 1, 0], [], []>, transpose_lhs_hint = false} : vector<256x64xbf16>, vector<2048x64xbf16>, vector<256x2048xf32> -> vector<256x2048xf32>
      %convert_element_type3A_45 = arith.truncf %dot_general3A_44 : vector<256x2048xf32> to vector<256x2048xbf16>
      %exp3A_46 = math.exp %convert_element_type3A_45 : vector<256x2048xbf16>
      %get3A_47 = arith.constant 1 : index
      %get3A_48 = arith.constant 0 : index
      %get3A_49 = arith.constant 0 : index
      %get3A_50 = vector.load %arg25[%get3A_47, %get3A_48, %get3A_49] : memref<4x2048x128xbf16, #tpu.memory_space<vmem>>, vector<1x2048x128xbf16>
      %get3A_51 = vector.shape_cast %get3A_50 : vector<1x2048x128xbf16> to vector<2048x128xbf16>
      %dot_general3A_52 = arith.constant dense<0.000000e+00> : vector<256x128xf32>
      %dot_general3A_53 = tpu.matmul %exp3A_46, %get3A_51, %dot_general3A_52 {dimension_numbers = #tpu.dot_dimension_numbers<[1], [0], [0], [1], [0, 0, 1, 1], [], []>, transpose_lhs_hint = false} : vector<256x2048xbf16>, vector<2048x128xbf16>, vector<256x128xf32> -> vector<256x128xf32>
      %slice3A_54 = vector.extract_strided_slice %dot_general3A_53 {offsets = [0, 0], sizes = [256, 64], strides = [1, 1]} : vector<256x128xf32> to vector<256x64xf32>
      %slice3A_55 = vector.extract_strided_slice %dot_general3A_53 {offsets = [0, 64], sizes = [256, 1], strides = [1, 1]} : vector<256x128xf32> to vector<256x1xf32>
      %div3A_56 = arith.constant 1.000000e+00 : f32
      %div3A_57 = vector.broadcast %div3A_56 : f32 to vector<256x1xf32>
      %div3A_58 = arith.divf %div3A_57, %slice3A_55 : vector<256x1xf32>
      %mul3A_59 = vector.broadcast %div3A_58 : vector<256x1xf32> to vector<256x64xf32>
      %mul3A_60 = arith.mulf %slice3A_54, %mul3A_59 : vector<256x64xf32>
      %mul3A_61 = arith.constant 256 : i32
      %mul3A_62 = arith.muli %sub3A_6, %mul3A_61 : i32
      %get3A_63 = arith.constant 2 : index
      %get3A_64 = arith.index_cast %mul3A_62 : i32 to index
      %get3A_65 = arith.constant 0 : index
      %get3A_66 = vector.load %arg23[%get3A_63, %get3A_64, %get3A_65] : memref<4x2048x64xbf16, #tpu.memory_space<vmem>>, vector<1x256x64xbf16>
      %get3A_67 = vector.shape_cast %get3A_66 : vector<1x256x64xbf16> to vector<256x64xbf16>
      %get3A_68 = arith.constant 2 : index
      %get3A_69 = arith.constant 0 : index
      %get3A_70 = arith.constant 0 : index
      %get3A_71 = vector.load %arg24[%get3A_68, %get3A_69, %get3A_70] : memref<4x2048x64xbf16, #tpu.memory_space<vmem>>, vector<1x2048x64xbf16>
      %get3A_72 = vector.shape_cast %get3A_71 : vector<1x2048x64xbf16> to vector<2048x64xbf16>
      %dot_general3A_73 = arith.constant dense<0.000000e+00> : vector<256x2048xf32>
      %dot_general3A_74 = tpu.matmul %get3A_67, %get3A_72, %dot_general3A_73 {dimension_numbers = #tpu.dot_dimension_numbers<[1], [1], [0], [0], [0, 0, 1, 0], [], []>, transpose_lhs_hint = false} : vector<256x64xbf16>, vector<2048x64xbf16>, vector<256x2048xf32> -> vector<256x2048xf32>
      %convert_element_type3A_75 = arith.truncf %dot_general3A_74 : vector<256x2048xf32> to vector<256x2048xbf16>
      %exp3A_76 = math.exp %convert_element_type3A_75 : vector<256x2048xbf16>
      %get3A_77 = arith.constant 2 : index
      %get3A_78 = arith.constant 0 : index
      %get3A_79 = arith.constant 0 : index
      %get3A_80 = vector.load %arg25[%get3A_77, %get3A_78, %get3A_79] : memref<4x2048x128xbf16, #tpu.memory_space<vmem>>, vector<1x2048x128xbf16>
      %get3A_81 = vector.shape_cast %get3A_80 : vector<1x2048x128xbf16> to vector<2048x128xbf16>
      %dot_general3A_82 = arith.constant dense<0.000000e+00> : vector<256x128xf32>
      %dot_general3A_83 = tpu.matmul %exp3A_76, %get3A_81, %dot_general3A_82 {dimension_numbers = #tpu.dot_dimension_numbers<[1], [0], [0], [1], [0, 0, 1, 1], [], []>, transpose_lhs_hint = false} : vector<256x2048xbf16>, vector<2048x128xbf16>, vector<256x128xf32> -> vector<256x128xf32>
      %slice3A_84 = vector.extract_strided_slice %dot_general3A_83 {offsets = [0, 0], sizes = [256, 64], strides = [1, 1]} : vector<256x128xf32> to vector<256x64xf32>
      %slice3A_85 = vector.extract_strided_slice %dot_general3A_83 {offsets = [0, 64], sizes = [256, 1], strides = [1, 1]} : vector<256x128xf32> to vector<256x1xf32>
      %div3A_86 = arith.constant 1.000000e+00 : f32
      %div3A_87 = vector.broadcast %div3A_86 : f32 to vector<256x1xf32>
      %div3A_88 = arith.divf %div3A_87, %slice3A_85 : vector<256x1xf32>
      %mul3A_89 = vector.broadcast %div3A_88 : vector<256x1xf32> to vector<256x64xf32>
      %mul3A_90 = arith.mulf %slice3A_84, %mul3A_89 : vector<256x64xf32>
      %mul3A_91 = arith.constant 256 : i32
      %mul3A_92 = arith.muli %sub3A_6, %mul3A_91 : i32
      %get3A_93 = arith.constant 3 : index
      %get3A_94 = arith.index_cast %mul3A_92 : i32 to index
      %get3A_95 = arith.constant 0 : index
      %get3A_96 = vector.load %arg23[%get3A_93, %get3A_94, %get3A_95] : memref<4x2048x64xbf16, #tpu.memory_space<vmem>>, vector<1x256x64xbf16>
      %get3A_97 = vector.shape_cast %get3A_96 : vector<1x256x64xbf16> to vector<256x64xbf16>
      %get3A_98 = arith.constant 3 : index
      %get3A_99 = arith.constant 0 : index
      %get3A_100 = arith.constant 0 : index
      %get3A_101 = vector.load %arg24[%get3A_98, %get3A_99, %get3A_100] : memref<4x2048x64xbf16, #tpu.memory_space<vmem>>, vector<1x2048x64xbf16>
      %get3A_102 = vector.shape_cast %get3A_101 : vector<1x2048x64xbf16> to vector<2048x64xbf16>
      %dot_general3A_103 = arith.constant dense<0.000000e+00> : vector<256x2048xf32>
      %dot_general3A_104 = tpu.matmul %get3A_97, %get3A_102, %dot_general3A_103 {dimension_numbers = #tpu.dot_dimension_numbers<[1], [1], [0], [0], [0, 0, 1, 0], [], []>, transpose_lhs_hint = false} : vector<256x64xbf16>, vector<2048x64xbf16>, vector<256x2048xf32> -> vector<256x2048xf32>
      %convert_element_type3A_105 = arith.truncf %dot_general3A_104 : vector<256x2048xf32> to vector<256x2048xbf16>
      %exp3A_106 = math.exp %convert_element_type3A_105 : vector<256x2048xbf16>
      %get3A_107 = arith.constant 3 : index
      %get3A_108 = arith.constant 0 : index
      %get3A_109 = arith.constant 0 : index
      %get3A_110 = vector.load %arg25[%get3A_107, %get3A_108, %get3A_109] : memref<4x2048x128xbf16, #tpu.memory_space<vmem>>, vector<1x2048x128xbf16>
      %get3A_111 = vector.shape_cast %get3A_110 : vector<1x2048x128xbf16> to vector<2048x128xbf16>
      %dot_general3A_112 = arith.constant dense<0.000000e+00> : vector<256x128xf32>
      %dot_general3A_113 = tpu.matmul %exp3A_106, %get3A_111, %dot_general3A_112 {dimension_numbers = #tpu.dot_dimension_numbers<[1], [0], [0], [1], [0, 0, 1, 1], [], []>, transpose_lhs_hint = false} : vector<256x2048xbf16>, vector<2048x128xbf16>, vector<256x128xf32> -> vector<256x128xf32>
      %slice3A_114 = vector.extract_strided_slice %dot_general3A_113 {offsets = [0, 0], sizes = [256, 64], strides = [1, 1]} : vector<256x128xf32> to vector<256x64xf32>
      %slice3A_115 = vector.extract_strided_slice %dot_general3A_113 {offsets = [0, 64], sizes = [256, 1], strides = [1, 1]} : vector<256x128xf32> to vector<256x1xf32>
      %div3A_116 = arith.constant 1.000000e+00 : f32
      %div3A_117 = vector.broadcast %div3A_116 : f32 to vector<256x1xf32>
      %div3A_118 = arith.divf %div3A_117, %slice3A_115 : vector<256x1xf32>
      %mul3A_119 = vector.broadcast %div3A_118 : vector<256x1xf32> to vector<256x64xf32>
      %mul3A_120 = arith.mulf %slice3A_114, %mul3A_119 : vector<256x64xf32>
      %concatenate3A = tpu.concatenate %mul3A_30, %mul3A_60, %mul3A_90, %mul3A_120 in 1 : vector<256x64xf32>, vector<256x64xf32>, vector<256x64xf32>, vector<256x64xf32> -> vector<256x256xf32>
      %convert_element_type3A_121 = arith.truncf %concatenate3A : vector<256x256xf32> to vector<256x256xbf16>
      %get3A_122 = arith.constant 0 : index
      %get3A_123 = arith.constant 0 : index
      %get3A_124 = vector.load %arg11[%get3A_122, %get3A_123] : memref<256x256xf32, #tpu.memory_space<vmem>>, vector<256x256xf32>
      %convert_element_type3A_125 = arith.truncf %get3A_124 : vector<256x256xf32> to vector<256x256xbf16>
      %dot_general3A_126 = arith.constant dense<0.000000e+00> : vector<256x256xf32>
      %dot_general3A_127 = tpu.matmul %convert_element_type3A_121, %convert_element_type3A_125, %dot_general3A_126 {dimension_numbers = #tpu.dot_dimension_numbers<[1], [1], [0], [0], [0, 0, 1, 0], [], []>, transpose_lhs_hint = false} : vector<256x256xbf16>, vector<256x256xbf16>, vector<256x256xf32> -> vector<256x256xf32>
      %get3A_128 = arith.constant 0 : index
      %get3A_129 = arith.constant 0 : index
      %get3A_130 = vector.load %arg12[%get3A_128, %get3A_129] : memref<1x256xf32, #tpu.memory_space<vmem>>, vector<1x256xf32>
      %add3A = vector.broadcast %get3A_130 : vector<1x256xf32> to vector<256x256xf32>
      %add3A_131 = arith.addf %dot_general3A_127, %add3A : vector<256x256xf32>
      %mul3A_132 = arith.constant 256 : i32
      %mul3A_133 = arith.muli %sub3A_6, %mul3A_132 : i32
      %get3A_134 = arith.index_cast %mul3A_133 : i32 to index
      %get3A_135 = arith.constant 0 : index
      %get3A_136 = vector.load %arg22[%get3A_134, %get3A_135] : memref<2048x256xf32, #tpu.memory_space<vmem>>, vector<256x256xf32>
      %add3A_137 = arith.addf %get3A_136, %add3A_131 : vector<256x256xf32>
      %get3A_138 = arith.constant 0 : index
      %get3A_139 = arith.constant 0 : index
      %get3A_140 = vector.load %arg13[%get3A_138, %get3A_139] : memref<1x256xf32, #tpu.memory_space<vmem>>, vector<1x256xf32>
      %get3A_141 = arith.constant 0 : index
      %get3A_142 = arith.constant 0 : index
      %get3A_143 = vector.load %arg14[%get3A_141, %get3A_142] : memref<1x256xf32, #tpu.memory_space<vmem>>, vector<1x256xf32>
      %reduce_sum3A = arith.constant dense<0.000000e+00> : vector<256xf32>
      %reduce_sum3A_144 = vector.multi_reduction <add>, %add3A_137, %reduce_sum3A [1] : vector<256x256xf32> to vector<256xf32>
      %broadcast_in_dim3A = vector.shape_cast %reduce_sum3A_144 : vector<256xf32> to vector<256x1xf32>
      %div3A_145 = arith.constant 2.560000e+02 : f32
      %div3A_146 = vector.broadcast %div3A_145 : f32 to vector<256x1xf32>
      %div3A_147 = arith.divf %broadcast_in_dim3A, %div3A_146 : vector<256x1xf32>
      %sub3A_148 = vector.broadcast %div3A_147 : vector<256x1xf32> to vector<256x256xf32>
      %sub3A_149 = arith.subf %add3A_137, %sub3A_148 : vector<256x256xf32>
      %integer_pow3A = arith.mulf %sub3A_149, %sub3A_149 : vector<256x256xf32>
      %reduce_sum3A_150 = arith.constant dense<0.000000e+00> : vector<256xf32>
      %reduce_sum3A_151 = vector.multi_reduction <add>, %integer_pow3A, %reduce_sum3A_150 [1] : vector<256x256xf32> to vector<256xf32>
      %broadcast_in_dim3A_152 = vector.shape_cast %reduce_sum3A_151 : vector<256xf32> to vector<256x1xf32>
      %div3A_153 = arith.constant 2.560000e+02 : f32
      %div3A_154 = vector.broadcast %div3A_153 : f32 to vector<256x1xf32>
      %div3A_155 = arith.divf %broadcast_in_dim3A_152, %div3A_154 : vector<256x1xf32>
      %sub3A_156 = vector.broadcast %div3A_147 : vector<256x1xf32> to vector<256x256xf32>
      %sub3A_157 = arith.subf %add3A_137, %sub3A_156 : vector<256x256xf32>
      %add3A_158 = arith.constant 9.99999974E-6 : f32
      %add3A_159 = vector.broadcast %add3A_158 : f32 to vector<256x1xf32>
      %add3A_160 = arith.addf %div3A_155, %add3A_159 : vector<256x1xf32>
      %sqrt3A = math.sqrt %add3A_160 : vector<256x1xf32>
      %div3A_161 = vector.broadcast %sqrt3A : vector<256x1xf32> to vector<256x256xf32>
      %div3A_162 = arith.divf %sub3A_157, %div3A_161 : vector<256x256xf32>
      %mul3A_163 = vector.broadcast %get3A_140 : vector<1x256xf32> to vector<256x256xf32>
      %mul3A_164 = arith.mulf %div3A_162, %mul3A_163 : vector<256x256xf32>
      %add3A_165 = vector.broadcast %get3A_143 : vector<1x256xf32> to vector<256x256xf32>
      %add3A_166 = arith.addf %mul3A_164, %add3A_165 : vector<256x256xf32>
      %swap3A = arith.constant 0 : index
      %swap3A_167 = arith.constant 0 : index
      %swap3A_168 = vector.load %arg17[%swap3A, %swap3A_167] : memref<256x256xf32, #tpu.memory_space<vmem>>, vector<256x256xf32>
      tpu.vector_store %arg17[%swap3A, %swap3A_167], %add3A_166 {strides = array<i32>} : memref<256x256xf32, #tpu.memory_space<vmem>>, vector<256x256xf32>,
      %get3A_169 = arith.constant 0 : index
      %get3A_170 = arith.constant 0 : index
      %get3A_171 = vector.load %arg15[%get3A_169, %get3A_170] : memref<4x257xf32, #tpu.memory_space<vmem>>, vector<4x257xf32>
      %slice3A_172 = vector.extract_strided_slice %get3A_171 {offsets = [0, 0], sizes = [4, 256], strides = [1, 1]} : vector<4x257xf32> to vector<4x256xf32>
      %dot_general3A_173 = arith.constant dense<0.000000e+00> : vector<256x4xf32>
      %dot_general3A_174 = tpu.matmul %add3A_166, %slice3A_172, %dot_general3A_173 {dimension_numbers = #tpu.dot_dimension_numbers<[1], [1], [0], [0], [0, 0, 1, 0], [], []>, transpose_lhs_hint = false} : vector<256x256xf32>, vector<4x256xf32>, vector<256x4xf32> -> vector<256x4xf32>
      %get3A_175 = arith.constant 0 : index
      %get3A_176 = arith.constant 0 : index
      %get3A_177 = vector.load %arg10[%get3A_175, %get3A_176] : memref<256x1xf32, #tpu.memory_space<vmem>>, vector<256x1xf32>
      %slice3A_178 = vector.extract_strided_slice %get3A_171 {offsets = [0, 256], sizes = [4, 1], strides = [1, 1]} : vector<4x257xf32> to vector<4x1xf32>
      %transpose3A = tpu.transpose %slice3A_178, [1, 0] : vector<4x1xf32> -> vector<1x4xf32>
      %mul3A_179 = vector.broadcast %get3A_177 : vector<256x1xf32> to vector<256x4xf32>
      %mul3A_180 = vector.broadcast %transpose3A : vector<1x4xf32> to vector<256x4xf32>
      %mul3A_181 = arith.mulf %mul3A_179, %mul3A_180 : vector<256x4xf32>
      %add3A_182 = arith.addf %dot_general3A_174, %mul3A_181 : vector<256x4xf32>
      %get3A_183 = arith.constant 0 : index
      %get3A_184 = arith.constant 0 : index
      %get3A_185 = vector.load %arg16[%get3A_183, %get3A_184] : memref<1x4xf32, #tpu.memory_space<vmem>>, vector<1x4xf32>
      %add3A_186 = vector.broadcast %get3A_185 : vector<1x4xf32> to vector<256x4xf32>
      %add3A_187 = arith.addf %add3A_182, %add3A_186 : vector<256x4xf32>
      %reduce_max3A = arith.constant dense<0xFF800000> : vector<256xf32>
      %reduce_max3A_188 = vector.multi_reduction <maximumf>, %add3A_187, %reduce_max3A [1] : vector<256x4xf32> to vector<256xf32>
      %broadcast_in_dim3A_189 = vector.shape_cast %reduce_max3A_188 : vector<256xf32> to vector<256x1xf32>
      %sub3A_190 = vector.broadcast %broadcast_in_dim3A_189 : vector<256x1xf32> to vector<256x4xf32>
      %sub3A_191 = arith.subf %add3A_187, %sub3A_190 : vector<256x4xf32>
      %exp3A_192 = math.exp %sub3A_191 : vector<256x4xf32>
      %reduce_sum3A_193 = arith.constant dense<0.000000e+00> : vector<256xf32>
      %reduce_sum3A_194 = vector.multi_reduction <add>, %exp3A_192, %reduce_sum3A_193 [1] : vector<256x4xf32> to vector<256xf32>
      %broadcast_in_dim3A_195 = vector.shape_cast %reduce_sum3A_194 : vector<256xf32> to vector<256x1xf32>
      %div3A_196 = vector.broadcast %broadcast_in_dim3A_195 : vector<256x1xf32> to vector<256x4xf32>
      %div3A_197 = arith.divf %exp3A_192, %div3A_196 : vector<256x4xf32>
      %swap3A_198 = arith.constant 0 : index
      %swap3A_199 = arith.constant 0 : index
      %swap3A_200 = vector.load %arg18[%swap3A_198, %swap3A_199] : memref<256x4xf32, #tpu.memory_space<vmem>>, vector<256x4xf32>
      tpu.vector_store %arg18[%swap3A_198, %swap3A_199], %div3A_197 {strides = array<i32>} : memref<256x4xf32, #tpu.memory_space<vmem>>, vector<256x4xf32>,
      %argmax3A = tpu.reduce_index %div3A_197 {axis = 1 : i32, kind = #tpu.reduction_kind<arg_max>} : vector<256x4xf32> -> vector<256xi32>
      %broadcast_in_dim3A_201 = vector.shape_cast %argmax3A : vector<256xi32> to vector<256x1xi32>
      %mul3A_202 = arith.constant 256 : i32
      %mul3A_203 = arith.muli %sub3A_6, %mul3A_202 : i32
      %swap3A_204 = arith.index_cast %mul3A_203 : i32 to index
      %swap3A_205 = arith.constant 0 : index
      %swap3A_206 = vector.load %arg26[%swap3A_204, %swap3A_205] : memref<2048x1xi32, #tpu.memory_space<vmem>>, vector<256x1xi32>
      tpu.vector_store %arg26[%swap3A_204, %swap3A_205], %broadcast_in_dim3A_201 {strides = array<i32>} : memref<2048x1xi32, #tpu.memory_space<vmem>>, vector<256x1xi32>,
      %reduce_max3A_207 = arith.constant dense<0xFF800000> : vector<256xf32>
      %reduce_max3A_208 = vector.multi_reduction <maximumf>, %div3A_197, %reduce_max3A_207 [1] : vector<256x4xf32> to vector<256xf32>
      %broadcast_in_dim3A_209 = vector.shape_cast %reduce_max3A_208 : vector<256xf32> to vector<256x1xf32>
      %swap3A_210 = arith.constant 0 : index
      %swap3A_211 = arith.constant 0 : index
      %swap3A_212 = vector.load %arg19[%swap3A_210, %swap3A_211] : memref<256x1xf32, #tpu.memory_space<vmem>>, vector<256x1xf32>
      tpu.vector_store %arg19[%swap3A_210, %swap3A_211], %broadcast_in_dim3A_209 {strides = array<i32>} : memref<256x1xf32, #tpu.memory_space<vmem>>, vector<256x1xf32>,
      %eq3A = arith.constant 15 : i32
      %eq3A_213 = arith.cmpi eq, %arg0, %eq3A : i32
      %convert_element_type3A_214 = arith.extui %eq3A_213 : i1 to i32
      %cond3A_215 = arith.constant 0 : i32
      %cond3A_216 = arith.cmpi ne, %convert_element_type3A_214, %cond3A_215 : i32
      scf.if %cond3A_216 {
        %get3A_217 = arith.constant 0 : index
        %get3A_218 = arith.constant 0 : index
        %get3A_219 = vector.load %arg26[%get3A_217, %get3A_218] : memref<2048x1xi32, #tpu.memory_space<vmem>>, vector<2048x1xi32>
        %iota3A = tpu.iota {dimensions = array<i32: 1>} : vector<2048x4xi32>
        %eq3A_220 = vector.broadcast %get3A_219 : vector<2048x1xi32> to vector<2048x4xi32>
        %eq3A_221 = arith.cmpi eq, %iota3A, %eq3A_220 : vector<2048x4xi32>
        %convert_element_type3A_222 = arith.extui %eq3A_221 : vector<2048x4xi1> to vector<2048x4xi32>
        %convert_element_type3A_223 = arith.sitofp %convert_element_type3A_222 : vector<2048x4xi32> to vector<2048x4xf32>
        %reshape3A = vector.shape_cast %convert_element_type3A_223 : vector<2048x4xf32> to vector<16x128x4xf32>
        %iota3A_224 = tpu.iota {dimensions = array<i32: 1>} : vector<128x128xi32>
        %iota3A_225 = tpu.iota {dimensions = array<i32: 0>} : vector<128x128xi32>
        %lt3A_226 = arith.cmpi slt, %iota3A_224, %iota3A_225 : vector<128x128xi32>
        %convert_element_type3A_227 = arith.extui %lt3A_226 : vector<128x128xi1> to vector<128x128xi32>
        %convert_element_type3A_228 = arith.sitofp %convert_element_type3A_227 : vector<128x128xi32> to vector<128x128xf32>
        %slice3A_229 = vector.extract_strided_slice %reshape3A {offsets = [0, 0, 0], sizes = [1, 128, 4], strides = [1, 1, 1]} : vector<16x128x4xf32> to vector<1x128x4xf32>
        %squeeze3A = vector.shape_cast %slice3A_229 : vector<1x128x4xf32> to vector<128x4xf32>
        %dot_general3A_230 = arith.constant dense<0.000000e+00> : vector<128x4xf32>
        %dot_general3A_231 = tpu.matmul %convert_element_type3A_228, %squeeze3A, %dot_general3A_230 {dimension_numbers = #tpu.dot_dimension_numbers<[1], [0], [0], [1], [0, 0, 1, 1], [], []>, transpose_lhs_hint = false} : vector<128x128xf32>, vector<128x4xf32>, vector<128x4xf32> -> vector<128x4xf32>
        %slice3A_232 = vector.extract_strided_slice %reshape3A {offsets = [1, 0, 0], sizes = [1, 128, 4], strides = [1, 1, 1]} : vector<16x128x4xf32> to vector<1x128x4xf32>
        %squeeze3A_233 = vector.shape_cast %slice3A_232 : vector<1x128x4xf32> to vector<128x4xf32>
        %dot_general3A_234 = arith.constant dense<0.000000e+00> : vector<128x4xf32>
        %dot_general3A_235 = tpu.matmul %convert_element_type3A_228, %squeeze3A_233, %dot_general3A_234 {dimension_numbers = #tpu.dot_dimension_numbers<[1], [0], [0], [1], [0, 0, 1, 1], [], []>, transpose_lhs_hint = false} : vector<128x128xf32>, vector<128x4xf32>, vector<128x4xf32> -> vector<128x4xf32>
        %slice3A_236 = vector.extract_strided_slice %reshape3A {offsets = [2, 0, 0], sizes = [1, 128, 4], strides = [1, 1, 1]} : vector<16x128x4xf32> to vector<1x128x4xf32>
        %squeeze3A_237 = vector.shape_cast %slice3A_236 : vector<1x128x4xf32> to vector<128x4xf32>
        %dot_general3A_238 = arith.constant dense<0.000000e+00> : vector<128x4xf32>
        %dot_general3A_239 = tpu.matmul %convert_element_type3A_228, %squeeze3A_237, %dot_general3A_238 {dimension_numbers = #tpu.dot_dimension_numbers<[1], [0], [0], [1], [0, 0, 1, 1], [], []>, transpose_lhs_hint = false} : vector<128x128xf32>, vector<128x4xf32>, vector<128x4xf32> -> vector<128x4xf32>
        %slice3A_240 = vector.extract_strided_slice %reshape3A {offsets = [3, 0, 0], sizes = [1, 128, 4], strides = [1, 1, 1]} : vector<16x128x4xf32> to vector<1x128x4xf32>
        %squeeze3A_241 = vector.shape_cast %slice3A_240 : vector<1x128x4xf32> to vector<128x4xf32>
        %dot_general3A_242 = arith.constant dense<0.000000e+00> : vector<128x4xf32>
        %dot_general3A_243 = tpu.matmul %convert_element_type3A_228, %squeeze3A_241, %dot_general3A_242 {dimension_numbers = #tpu.dot_dimension_numbers<[1], [0], [0], [1], [0, 0, 1, 1], [], []>, transpose_lhs_hint = false} : vector<128x128xf32>, vector<128x4xf32>, vector<128x4xf32> -> vector<128x4xf32>
        %slice3A_244 = vector.extract_strided_slice %reshape3A {offsets = [4, 0, 0], sizes = [1, 128, 4], strides = [1, 1, 1]} : vector<16x128x4xf32> to vector<1x128x4xf32>
        %squeeze3A_245 = vector.shape_cast %slice3A_244 : vector<1x128x4xf32> to vector<128x4xf32>
        %dot_general3A_246 = arith.constant dense<0.000000e+00> : vector<128x4xf32>
        %dot_general3A_247 = tpu.matmul %convert_element_type3A_228, %squeeze3A_245, %dot_general3A_246 {dimension_numbers = #tpu.dot_dimension_numbers<[1], [0], [0], [1], [0, 0, 1, 1], [], []>, transpose_lhs_hint = false} : vector<128x128xf32>, vector<128x4xf32>, vector<128x4xf32> -> vector<128x4xf32>
        %slice3A_248 = vector.extract_strided_slice %reshape3A {offsets = [5, 0, 0], sizes = [1, 128, 4], strides = [1, 1, 1]} : vector<16x128x4xf32> to vector<1x128x4xf32>
        %squeeze3A_249 = vector.shape_cast %slice3A_248 : vector<1x128x4xf32> to vector<128x4xf32>
        %dot_general3A_250 = arith.constant dense<0.000000e+00> : vector<128x4xf32>
        %dot_general3A_251 = tpu.matmul %convert_element_type3A_228, %squeeze3A_249, %dot_general3A_250 {dimension_numbers = #tpu.dot_dimension_numbers<[1], [0], [0], [1], [0, 0, 1, 1], [], []>, transpose_lhs_hint = false} : vector<128x128xf32>, vector<128x4xf32>, vector<128x4xf32> -> vector<128x4xf32>
        %slice3A_252 = vector.extract_strided_slice %reshape3A {offsets = [6, 0, 0], sizes = [1, 128, 4], strides = [1, 1, 1]} : vector<16x128x4xf32> to vector<1x128x4xf32>
        %squeeze3A_253 = vector.shape_cast %slice3A_252 : vector<1x128x4xf32> to vector<128x4xf32>
        %dot_general3A_254 = arith.constant dense<0.000000e+00> : vector<128x4xf32>
        %dot_general3A_255 = tpu.matmul %convert_element_type3A_228, %squeeze3A_253, %dot_general3A_254 {dimension_numbers = #tpu.dot_dimension_numbers<[1], [0], [0], [1], [0, 0, 1, 1], [], []>, transpose_lhs_hint = false} : vector<128x128xf32>, vector<128x4xf32>, vector<128x4xf32> -> vector<128x4xf32>
        %slice3A_256 = vector.extract_strided_slice %reshape3A {offsets = [7, 0, 0], sizes = [1, 128, 4], strides = [1, 1, 1]} : vector<16x128x4xf32> to vector<1x128x4xf32>
        %squeeze3A_257 = vector.shape_cast %slice3A_256 : vector<1x128x4xf32> to vector<128x4xf32>
        %dot_general3A_258 = arith.constant dense<0.000000e+00> : vector<128x4xf32>
        %dot_general3A_259 = tpu.matmul %convert_element_type3A_228, %squeeze3A_257, %dot_general3A_258 {dimension_numbers = #tpu.dot_dimension_numbers<[1], [0], [0], [1], [0, 0, 1, 1], [], []>, transpose_lhs_hint = false} : vector<128x128xf32>, vector<128x4xf32>, vector<128x4xf32> -> vector<128x4xf32>
        %slice3A_260 = vector.extract_strided_slice %reshape3A {offsets = [8, 0, 0], sizes = [1, 128, 4], strides = [1, 1, 1]} : vector<16x128x4xf32> to vector<1x128x4xf32>
        %squeeze3A_261 = vector.shape_cast %slice3A_260 : vector<1x128x4xf32> to vector<128x4xf32>
        %dot_general3A_262 = arith.constant dense<0.000000e+00> : vector<128x4xf32>
        %dot_general3A_263 = tpu.matmul %convert_element_type3A_228, %squeeze3A_261, %dot_general3A_262 {dimension_numbers = #tpu.dot_dimension_numbers<[1], [0], [0], [1], [0, 0, 1, 1], [], []>, transpose_lhs_hint = false} : vector<128x128xf32>, vector<128x4xf32>, vector<128x4xf32> -> vector<128x4xf32>
        %slice3A_264 = vector.extract_strided_slice %reshape3A {offsets = [9, 0, 0], sizes = [1, 128, 4], strides = [1, 1, 1]} : vector<16x128x4xf32> to vector<1x128x4xf32>
        %squeeze3A_265 = vector.shape_cast %slice3A_264 : vector<1x128x4xf32> to vector<128x4xf32>
        %dot_general3A_266 = arith.constant dense<0.000000e+00> : vector<128x4xf32>
        %dot_general3A_267 = tpu.matmul %convert_element_type3A_228, %squeeze3A_265, %dot_general3A_266 {dimension_numbers = #tpu.dot_dimension_numbers<[1], [0], [0], [1], [0, 0, 1, 1], [], []>, transpose_lhs_hint = false} : vector<128x128xf32>, vector<128x4xf32>, vector<128x4xf32> -> vector<128x4xf32>
        %slice3A_268 = vector.extract_strided_slice %reshape3A {offsets = [10, 0, 0], sizes = [1, 128, 4], strides = [1, 1, 1]} : vector<16x128x4xf32> to vector<1x128x4xf32>
        %squeeze3A_269 = vector.shape_cast %slice3A_268 : vector<1x128x4xf32> to vector<128x4xf32>
        %dot_general3A_270 = arith.constant dense<0.000000e+00> : vector<128x4xf32>
        %dot_general3A_271 = tpu.matmul %convert_element_type3A_228, %squeeze3A_269, %dot_general3A_270 {dimension_numbers = #tpu.dot_dimension_numbers<[1], [0], [0], [1], [0, 0, 1, 1], [], []>, transpose_lhs_hint = false} : vector<128x128xf32>, vector<128x4xf32>, vector<128x4xf32> -> vector<128x4xf32>
        %slice3A_272 = vector.extract_strided_slice %reshape3A {offsets = [11, 0, 0], sizes = [1, 128, 4], strides = [1, 1, 1]} : vector<16x128x4xf32> to vector<1x128x4xf32>
        %squeeze3A_273 = vector.shape_cast %slice3A_272 : vector<1x128x4xf32> to vector<128x4xf32>
        %dot_general3A_274 = arith.constant dense<0.000000e+00> : vector<128x4xf32>
        %dot_general3A_275 = tpu.matmul %convert_element_type3A_228, %squeeze3A_273, %dot_general3A_274 {dimension_numbers = #tpu.dot_dimension_numbers<[1], [0], [0], [1], [0, 0, 1, 1], [], []>, transpose_lhs_hint = false} : vector<128x128xf32>, vector<128x4xf32>, vector<128x4xf32> -> vector<128x4xf32>
        %slice3A_276 = vector.extract_strided_slice %reshape3A {offsets = [12, 0, 0], sizes = [1, 128, 4], strides = [1, 1, 1]} : vector<16x128x4xf32> to vector<1x128x4xf32>
        %squeeze3A_277 = vector.shape_cast %slice3A_276 : vector<1x128x4xf32> to vector<128x4xf32>
        %dot_general3A_278 = arith.constant dense<0.000000e+00> : vector<128x4xf32>
        %dot_general3A_279 = tpu.matmul %convert_element_type3A_228, %squeeze3A_277, %dot_general3A_278 {dimension_numbers = #tpu.dot_dimension_numbers<[1], [0], [0], [1], [0, 0, 1, 1], [], []>, transpose_lhs_hint = false} : vector<128x128xf32>, vector<128x4xf32>, vector<128x4xf32> -> vector<128x4xf32>
        %slice3A_280 = vector.extract_strided_slice %reshape3A {offsets = [13, 0, 0], sizes = [1, 128, 4], strides = [1, 1, 1]} : vector<16x128x4xf32> to vector<1x128x4xf32>
        %squeeze3A_281 = vector.shape_cast %slice3A_280 : vector<1x128x4xf32> to vector<128x4xf32>
        %dot_general3A_282 = arith.constant dense<0.000000e+00> : vector<128x4xf32>
        %dot_general3A_283 = tpu.matmul %convert_element_type3A_228, %squeeze3A_281, %dot_general3A_282 {dimension_numbers = #tpu.dot_dimension_numbers<[1], [0], [0], [1], [0, 0, 1, 1], [], []>, transpose_lhs_hint = false} : vector<128x128xf32>, vector<128x4xf32>, vector<128x4xf32> -> vector<128x4xf32>
        %slice3A_284 = vector.extract_strided_slice %reshape3A {offsets = [14, 0, 0], sizes = [1, 128, 4], strides = [1, 1, 1]} : vector<16x128x4xf32> to vector<1x128x4xf32>
        %squeeze3A_285 = vector.shape_cast %slice3A_284 : vector<1x128x4xf32> to vector<128x4xf32>
        %dot_general3A_286 = arith.constant dense<0.000000e+00> : vector<128x4xf32>
        %dot_general3A_287 = tpu.matmul %convert_element_type3A_228, %squeeze3A_285, %dot_general3A_286 {dimension_numbers = #tpu.dot_dimension_numbers<[1], [0], [0], [1], [0, 0, 1, 1], [], []>, transpose_lhs_hint = false} : vector<128x128xf32>, vector<128x4xf32>, vector<128x4xf32> -> vector<128x4xf32>
        %slice3A_288 = vector.extract_strided_slice %reshape3A {offsets = [15, 0, 0], sizes = [1, 128, 4], strides = [1, 1, 1]} : vector<16x128x4xf32> to vector<1x128x4xf32>
        %squeeze3A_289 = vector.shape_cast %slice3A_288 : vector<1x128x4xf32> to vector<128x4xf32>
        %dot_general3A_290 = arith.constant dense<0.000000e+00> : vector<128x4xf32>
        %dot_general3A_291 = tpu.matmul %convert_element_type3A_228, %squeeze3A_289, %dot_general3A_290 {dimension_numbers = #tpu.dot_dimension_numbers<[1], [0], [0], [1], [0, 0, 1, 1], [], []>, transpose_lhs_hint = false} : vector<128x128xf32>, vector<128x4xf32>, vector<128x4xf32> -> vector<128x4xf32>
        %stack3A = vector.shape_cast %dot_general3A_231 : vector<128x4xf32> to vector<1x128x4xf32>
        %stack3A_292 = vector.shape_cast %dot_general3A_235 : vector<128x4xf32> to vector<1x128x4xf32>
        %stack3A_293 = vector.shape_cast %dot_general3A_239 : vector<128x4xf32> to vector<1x128x4xf32>
        %stack3A_294 = vector.shape_cast %dot_general3A_243 : vector<128x4xf32> to vector<1x128x4xf32>
        %stack3A_295 = vector.shape_cast %dot_general3A_247 : vector<128x4xf32> to vector<1x128x4xf32>
        %stack3A_296 = vector.shape_cast %dot_general3A_251 : vector<128x4xf32> to vector<1x128x4xf32>
        %stack3A_297 = vector.shape_cast %dot_general3A_255 : vector<128x4xf32> to vector<1x128x4xf32>
        %stack3A_298 = vector.shape_cast %dot_general3A_259 : vector<128x4xf32> to vector<1x128x4xf32>
        %stack3A_299 = vector.shape_cast %dot_general3A_263 : vector<128x4xf32> to vector<1x128x4xf32>
        %stack3A_300 = vector.shape_cast %dot_general3A_267 : vector<128x4xf32> to vector<1x128x4xf32>
        %stack3A_301 = vector.shape_cast %dot_general3A_271 : vector<128x4xf32> to vector<1x128x4xf32>
        %stack3A_302 = vector.shape_cast %dot_general3A_275 : vector<128x4xf32> to vector<1x128x4xf32>
        %stack3A_303 = vector.shape_cast %dot_general3A_279 : vector<128x4xf32> to vector<1x128x4xf32>
        %stack3A_304 = vector.shape_cast %dot_general3A_283 : vector<128x4xf32> to vector<1x128x4xf32>
        %stack3A_305 = vector.shape_cast %dot_general3A_287 : vector<128x4xf32> to vector<1x128x4xf32>
        %stack3A_306 = vector.shape_cast %dot_general3A_291 : vector<128x4xf32> to vector<1x128x4xf32>
        %stack3A_307 = tpu.concatenate %stack3A, %stack3A_292, %stack3A_293, %stack3A_294, %stack3A_295, %stack3A_296, %stack3A_297, %stack3A_298, %stack3A_299, %stack3A_300, %stack3A_301, %stack3A_302, %stack3A_303, %stack3A_304, %stack3A_305, %stack3A_306 in 0 : vector<1x128x4xf32>, vector<1x128x4xf32>, vector<1x128x4xf32>, vector<1x128x4xf32>, vector<1x128x4xf32>, vector<1x128x4xf32>, vector<1x128x4xf32>, vector<1x128x4xf32>, vector<1x128x4xf32>, vector<1x128x4xf32>, vector<1x128x4xf32>, vector<1x128x4xf32>, vector<1x128x4xf32>, vector<1x128x4xf32>, vector<1x128x4xf32>, vector<1x128x4xf32> -> vector<16x128x4xf32>
        %reduce_sum3A_308 = arith.constant dense<0.000000e+00> : vector<16x4xf32>
        %reduce_sum3A_309 = vector.multi_reduction <add>, %reshape3A, %reduce_sum3A_308 [1] : vector<16x128x4xf32> to vector<16x4xf32>
        %iota3A_310 = tpu.iota {dimensions = array<i32: 1>} : vector<16x16xi32>
        %iota3A_311 = tpu.iota {dimensions = array<i32: 0>} : vector<16x16xi32>
        %lt3A_312 = arith.cmpi slt, %iota3A_310, %iota3A_311 : vector<16x16xi32>
        %convert_element_type3A_313 = arith.extui %lt3A_312 : vector<16x16xi1> to vector<16x16xi32>
        %convert_element_type3A_314 = arith.sitofp %convert_element_type3A_313 : vector<16x16xi32> to vector<16x16xf32>
        %dot_general3A_315 = arith.constant dense<0.000000e+00> : vector<16x4xf32>
        %dot_general3A_316 = tpu.matmul %convert_element_type3A_314, %reduce_sum3A_309, %dot_general3A_315 {dimension_numbers = #tpu.dot_dimension_numbers<[1], [0], [0], [1], [0, 0, 1, 1], [], []>, transpose_lhs_hint = false} : vector<16x16xf32>, vector<16x4xf32>, vector<16x4xf32> -> vector<16x4xf32>
        %broadcast_in_dim3A_317 = vector.shape_cast %dot_general3A_316 : vector<16x4xf32> to vector<16x1x4xf32>
        %add3A_318 = vector.broadcast %broadcast_in_dim3A_317 : vector<16x1x4xf32> to vector<16x128x4xf32>
        %add3A_319 = arith.addf %stack3A_307, %add3A_318 : vector<16x128x4xf32>
        %reshape3A_320 = vector.shape_cast %add3A_319 : vector<16x128x4xf32> to vector<2048x4xf32>
        %reduce_sum3A_321 = arith.constant dense<0.000000e+00> : vector<4xf32>
        %reduce_sum3A_322 = vector.multi_reduction <add>, %reduce_sum3A_309, %reduce_sum3A_321 [0] : vector<16x4xf32> to vector<4xf32>
        %broadcast_in_dim3A_323 = vector.shape_cast %reduce_sum3A_322 : vector<4xf32> to vector<1x4xf32>
        %add3A_324 = arith.constant 2.550000e+02 : f32
        %add3A_325 = vector.broadcast %add3A_324 : f32 to vector<1x4xf32>
        %add3A_326 = arith.addf %broadcast_in_dim3A_323, %add3A_325 : vector<1x4xf32>
        %mul3A_327 = arith.constant 3.906250e-03 : f32
        %mul3A_328 = vector.broadcast %mul3A_327 : f32 to vector<1x4xf32>
        %mul3A_329 = arith.mulf %add3A_326, %mul3A_328 : vector<1x4xf32>
        %floor3A = math.floor %mul3A_329 : vector<1x4xf32>
        %iota3A_330 = tpu.iota {dimensions = array<i32: 0>} : vector<4x4xi32>
        %iota3A_331 = tpu.iota {dimensions = array<i32: 1>} : vector<4x4xi32>
        %lt3A_332 = arith.cmpi slt, %iota3A_330, %iota3A_331 : vector<4x4xi32>
        %convert_element_type3A_333 = arith.extui %lt3A_332 : vector<4x4xi1> to vector<4x4xi32>
        %convert_element_type3A_334 = arith.sitofp %convert_element_type3A_333 : vector<4x4xi32> to vector<4x4xf32>
        %dot_general3A_335 = arith.constant dense<0.000000e+00> : vector<1x4xf32>
        %dot_general3A_336 = tpu.matmul %floor3A, %convert_element_type3A_334, %dot_general3A_335 {dimension_numbers = #tpu.dot_dimension_numbers<[1], [0], [0], [1], [0, 0, 1, 1], [], []>, transpose_lhs_hint = false} : vector<1x4xf32>, vector<4x4xf32>, vector<1x4xf32> -> vector<1x4xf32>
        %mul3A_337 = arith.constant 2.560000e+02 : f32
        %mul3A_338 = vector.broadcast %mul3A_337 : f32 to vector<1x4xf32>
        %mul3A_339 = arith.mulf %dot_general3A_336, %mul3A_338 : vector<1x4xf32>
        %add3A_340 = vector.broadcast %mul3A_339 : vector<1x4xf32> to vector<2048x4xf32>
        %add3A_341 = arith.addf %reshape3A_320, %add3A_340 : vector<2048x4xf32>
        %mul3A_342 = arith.mulf %convert_element_type3A_223, %add3A_341 : vector<2048x4xf32>
        %reduce_sum3A_343 = arith.constant dense<0.000000e+00> : vector<2048xf32>
        %reduce_sum3A_344 = vector.multi_reduction <add>, %mul3A_342, %reduce_sum3A_343 [1] : vector<2048x4xf32> to vector<2048xf32>
        %broadcast_in_dim3A_345 = vector.shape_cast %reduce_sum3A_344 : vector<2048xf32> to vector<2048x1xf32>
        %convert_element_type3A_346 = arith.fptosi %broadcast_in_dim3A_345 : vector<2048x1xf32> to vector<2048x1xi32>
        %swap3A_347 = arith.constant 0 : index
        %swap3A_348 = arith.constant 0 : index
        %swap3A_349 = vector.load %arg20[%swap3A_347, %swap3A_348] : memref<2048x1xi32, #tpu.memory_space<vmem>>, vector<2048x1xi32>
        tpu.vector_store %arg20[%swap3A_347, %swap3A_348], %convert_element_type3A_346 {strides = array<i32>} : memref<2048x1xi32, #tpu.memory_space<vmem>>, vector<2048x1xi32>,
        %add3A_350 = arith.addf %dot_general3A_336, %floor3A : vector<1x4xf32>
        %convert_element_type3A_351 = arith.fptosi %add3A_350 : vector<1x4xf32> to vector<1x4xi32>
        %swap3A_352 = arith.constant 0 : index
        %swap3A_353 = arith.constant 0 : index
        %swap3A_354 = vector.load %arg21[%swap3A_352, %swap3A_353] : memref<1x4xi32, #tpu.memory_space<vmem>>, vector<1x4xi32>
        tpu.vector_store %arg21[%swap3A_352, %swap3A_353], %convert_element_type3A_351 {strides = array<i32>} : memref<1x4xi32, #tpu.memory_space<vmem>>, vector<1x4xi32>,
      } else {
      }
    } else {
    }
    return
  }
  func.func @transform_0(%arg0: i32) -> (i32, i32) {
    %min3A = arith.constant 7 : i32
    %min3A_0 = arith.minsi %arg0, %min3A : i32
    %c0_i32 = arith.constant 0 : i32
    %c0_i32_1 = arith.constant 0 : i32
    return %min3A_0, %c0_i32 : i32, i32
  }
  func.func @transform_1(%arg0: i32) -> (i32, i32) {
    %c0_i32 = arith.constant 0 : i32
    %c0_i32_0 = arith.constant 0 : i32
    %c0_i32_1 = arith.constant 0 : i32
    return %c0_i32, %c0_i32_0 : i32, i32
  }
  func.func @transform_2(%arg0: i32) -> (i32, i32) {
    %min3A = arith.constant 7 : i32
    %min3A_0 = arith.minsi %arg0, %min3A : i32
    %c0_i32 = arith.constant 0 : i32
    %c0_i32_1 = arith.constant 0 : i32
    return %min3A_0, %c0_i32 : i32, i32
  }
  func.func @transform_3(%arg0: i32) -> (i32, i32) {
    %c0_i32 = arith.constant 0 : i32
    %c0_i32_0 = arith.constant 0 : i32
    %c0_i32_1 = arith.constant 0 : i32
    return %c0_i32, %c0_i32_0 : i32, i32
  }
  func.func @transform_4(%arg0: i32) -> (i32, i32) {
    %c0_i32 = arith.constant 0 : i32
    %c0_i32_0 = arith.constant 0 : i32
    %c0_i32_1 = arith.constant 0 : i32
    return %c0_i32, %c0_i32_0 : i32, i32
  }
  func.func @transform_5(%arg0: i32) -> (i32, i32) {
    %c0_i32 = arith.constant 0 : i32
    %c0_i32_0 = arith.constant 0 : i32
    %c0_i32_1 = arith.constant 0 : i32
    return %c0_i32, %c0_i32_0 : i32, i32
  }
  func.func @transform_6(%arg0: i32) -> (i32, i32) {
    %c0_i32 = arith.constant 0 : i32
    %c0_i32_0 = arith.constant 0 : i32
    %c0_i32_1 = arith.constant 0 : i32
    return %c0_i32, %c0_i32_0 : i32, i32
  }
  func.func @transform_7(%arg0: i32) -> (i32, i32) {
    %c0_i32 = arith.constant 0 : i32
    %c0_i32_0 = arith.constant 0 : i32
    %c0_i32_1 = arith.constant 0 : i32
    return %c0_i32, %c0_i32_0 : i32, i32
  }
  func.func @transform_8(%arg0: i32) -> (i32, i32) {
    %c0_i32 = arith.constant 0 : i32
    %c0_i32_0 = arith.constant 0 : i32
    %c0_i32_1 = arith.constant 0 : i32
    return %c0_i32, %c0_i32_0 : i32, i32
  }
  func.func @transform_9(%arg0: i32) -> (i32, i32) {
    %sub3A = arith.constant 8 : i32
    %sub3A_0 = arith.subi %arg0, %sub3A : i32
    %max3A = arith.constant 0 : i32
    %max3A_1 = arith.maxsi %sub3A_0, %max3A : i32
    %c0_i32 = arith.constant 0 : i32
    %c0_i32_2 = arith.constant 0 : i32
    return %max3A_1, %c0_i32 : i32, i32
  }
  func.func @transform_10(%arg0: i32) -> (i32, i32) {
    %c0_i32 = arith.constant 0 : i32
    %c0_i32_0 = arith.constant 0 : i32
    %c0_i32_1 = arith.constant 0 : i32
    return %c0_i32, %c0_i32_0 : i32, i32
  }
  func.func @transform_11(%arg0: i32) -> (i32, i32) {
    %c0_i32 = arith.constant 0 : i32
    %c0_i32_0 = arith.constant 0 : i32
    %c0_i32_1 = arith.constant 0 : i32
    return %c0_i32, %c0_i32_0 : i32, i32
  }
  func.func @transform_12(%arg0: i32) -> (i32, i32) {
    %c0_i32 = arith.constant 0 : i32
    %c0_i32_0 = arith.constant 0 : i32
    %c0_i32_1 = arith.constant 0 : i32
    return %c0_i32, %c0_i32_0 : i32, i32
  }
  func.func @transform_13(%arg0: i32) -> (i32, i32) {
    %c0_i32 = arith.constant 0 : i32
    %c0_i32_0 = arith.constant 0 : i32
    %c0_i32_1 = arith.constant 0 : i32
    return %c0_i32, %c0_i32_0 : i32, i32
  }
  func.func @transform_14(%arg0: i32) -> (i32, i32) {
    %c0_i32 = arith.constant 0 : i32
    %c0_i32_0 = arith.constant 0 : i32
    %c0_i32_1 = arith.constant 0 : i32
    return %c0_i32, %c0_i32_0 : i32, i32
  }
  func.func @transform_15(%arg0: i32) -> (i32, i32) {
    %c0_i32 = arith.constant 0 : i32
    %c0_i32_0 = arith.constant 0 : i32
    %c0_i32_1 = arith.constant 0 : i32
    return %c0_i32, %c0_i32_0 : i32, i32
  }
  func.func @transform_16(%arg0: i32) -> (i32, i32) {
    %sub3A = arith.constant 8 : i32
    %sub3A_0 = arith.subi %arg0, %sub3A : i32
    %max3A = arith.constant 0 : i32
    %max3A_1 = arith.maxsi %sub3A_0, %max3A : i32
    %c0_i32 = arith.constant 0 : i32
    %c0_i32_2 = arith.constant 0 : i32
    return %max3A_1, %c0_i32 : i32, i32
  }
  func.func @transform_17(%arg0: i32) -> (i32, i32) {
    %sub3A = arith.constant 8 : i32
    %sub3A_0 = arith.subi %arg0, %sub3A : i32
    %max3A = arith.constant 0 : i32
    %max3A_1 = arith.maxsi %sub3A_0, %max3A : i32
    %c0_i32 = arith.constant 0 : i32
    %c0_i32_2 = arith.constant 0 : i32
    return %max3A_1, %c0_i32 : i32, i32
  }
  func.func @transform_18(%arg0: i32) -> (i32, i32) {
    %sub3A = arith.constant 8 : i32
    %sub3A_0 = arith.subi %arg0, %sub3A : i32
    %max3A = arith.constant 0 : i32
    %max3A_1 = arith.maxsi %sub3A_0, %max3A : i32
    %c0_i32 = arith.constant 0 : i32
    %c0_i32_2 = arith.constant 0 : i32
    return %max3A_1, %c0_i32 : i32, i32
  }
  func.func @transform_19(%arg0: i32) -> (i32, i32) {
    %c0_i32 = arith.constant 0 : i32
    %c0_i32_0 = arith.constant 0 : i32
    %c0_i32_1 = arith.constant 0 : i32
    return %c0_i32, %c0_i32_0 : i32, i32
  }
  func.func @transform_20(%arg0: i32) -> (i32, i32) {
    %c0_i32 = arith.constant 0 : i32
    %c0_i32_0 = arith.constant 0 : i32
    %c0_i32_1 = arith.constant 0 : i32
    return %c0_i32, %c0_i32_0 : i32, i32
  }
}

module attributes {stable_mosaic.version = 14 : i64} {
  func.func @_k5ffn_body(%arg0: i32, %arg1: memref<4xi32, #tpu.memory_space<smem>>, %arg2: memref<256x256xf32, #tpu.memory_space<vmem>>, %arg3: memref<1x1024x256xf32, #tpu.memory_space<vmem>>, %arg4: memref<1x1x1024xf32, #tpu.memory_space<vmem>>, %arg5: memref<1x256x1024xf32, #tpu.memory_space<vmem>>, %arg6: memref<1x1x256xf32, #tpu.memory_space<vmem>>, %arg7: memref<256x256xf32, #tpu.memory_space<vmem>>) attributes {dimension_semantics = [#tpu.dimension_semantics<parallel>], iteration_bounds = array<i64: 11>, scalar_prefetch = 1 : i64, scratch_operands = 0 : i64, tpu.core_type = #tpu.core_type<tc>, window_params = [{transform_indices = @transform_0, window_bounds = array<i64: 256, 256>}, {transform_indices = @transform_1, window_bounds = array<i64: 1, 1024, 256>}, {transform_indices = @transform_2, window_bounds = array<i64: 1, 1, 1024>}, {transform_indices = @transform_3, window_bounds = array<i64: 1, 256, 1024>}, {transform_indices = @transform_4, window_bounds = array<i64: 1, 1, 256>}, {transform_indices = @transform_5, window_bounds = array<i64: 256, 256>}]} {
    %get3A = arith.constant 3 : index
    %get3A_0 = memref.load %arg1[%get3A] : memref<4xi32, #tpu.memory_space<smem>>
    %lt3A = arith.cmpi slt, %arg0, %get3A_0 : i32
    %convert_element_type3A = arith.extui %lt3A : i1 to i32
    %cond3A = arith.constant 0 : i32
    %cond3A_1 = arith.cmpi ne, %convert_element_type3A, %cond3A : i32
    scf.if %cond3A_1 {
      %get3A_2 = arith.constant 0 : index
      %get3A_3 = arith.constant 0 : index
      %get3A_4 = vector.load %arg2[%get3A_2, %get3A_3] : memref<256x256xf32, #tpu.memory_space<vmem>>, vector<256x256xf32>
      %convert_element_type3A_5 = arith.truncf %get3A_4 : vector<256x256xf32> to vector<256x256xbf16>
      %get3A_6 = arith.constant 0 : index
      %get3A_7 = arith.constant 0 : index
      %get3A_8 = arith.constant 0 : index
      %get3A_9 = vector.load %arg3[%get3A_6, %get3A_7, %get3A_8] : memref<1x1024x256xf32, #tpu.memory_space<vmem>>, vector<1x1024x256xf32>
      %get3A_10 = vector.shape_cast %get3A_9 : vector<1x1024x256xf32> to vector<1024x256xf32>
      %convert_element_type3A_11 = arith.truncf %get3A_10 : vector<1024x256xf32> to vector<1024x256xbf16>
      %dot_general3A = arith.constant dense<0.000000e+00> : vector<256x1024xf32>
      %dot_general3A_12 = tpu.matmul %convert_element_type3A_5, %convert_element_type3A_11, %dot_general3A {dimension_numbers = #tpu.dot_dimension_numbers<[1], [1], [0], [0], [0, 0, 1, 0], [], []>, transpose_lhs_hint = false} : vector<256x256xbf16>, vector<1024x256xbf16>, vector<256x1024xf32> -> vector<256x1024xf32>
      %get3A_13 = arith.constant 0 : index
      %get3A_14 = arith.constant 0 : index
      %get3A_15 = arith.constant 0 : index
      %get3A_16 = vector.load %arg4[%get3A_13, %get3A_14, %get3A_15] : memref<1x1x1024xf32, #tpu.memory_space<vmem>>, vector<1x1x1024xf32>
      %get3A_17 = vector.shape_cast %get3A_16 : vector<1x1x1024xf32> to vector<1x1024xf32>
      %add3A = vector.broadcast %get3A_17 : vector<1x1024xf32> to vector<256x1024xf32>
      %add3A_18 = arith.addf %dot_general3A_12, %add3A : vector<256x1024xf32>
      %convert_element_type3A_19 = arith.truncf %add3A_18 : vector<256x1024xf32> to vector<256x1024xbf16>
      %mul3A = arith.constant 5.000000e-01 : bf16
      %mul3A_20 = vector.broadcast %mul3A : bf16 to vector<256x1024xbf16>
      %mul3A_21 = arith.mulf %mul3A_20, %convert_element_type3A_19 : vector<256x1024xbf16>
      %mul3A_22 = arith.constant 7.070310e-01 : bf16
      %mul3A_23 = vector.broadcast %mul3A_22 : bf16 to vector<256x1024xbf16>
      %mul3A_24 = arith.mulf %convert_element_type3A_19, %mul3A_23 : vector<256x1024xbf16>
      %erf3A = math.erf %mul3A_24 : vector<256x1024xbf16>
      %add3A_25 = arith.constant 1.000000e+00 : bf16
      %add3A_26 = vector.broadcast %add3A_25 : bf16 to vector<256x1024xbf16>
      %add3A_27 = arith.addf %add3A_26, %erf3A : vector<256x1024xbf16>
      %mul3A_28 = arith.mulf %mul3A_21, %add3A_27 : vector<256x1024xbf16>
      %get3A_29 = arith.constant 0 : index
      %get3A_30 = arith.constant 0 : index
      %get3A_31 = arith.constant 0 : index
      %get3A_32 = vector.load %arg5[%get3A_29, %get3A_30, %get3A_31] : memref<1x256x1024xf32, #tpu.memory_space<vmem>>, vector<1x256x1024xf32>
      %get3A_33 = vector.shape_cast %get3A_32 : vector<1x256x1024xf32> to vector<256x1024xf32>
      %convert_element_type3A_34 = arith.truncf %get3A_33 : vector<256x1024xf32> to vector<256x1024xbf16>
      %dot_general3A_35 = arith.constant dense<0.000000e+00> : vector<256x256xf32>
      %dot_general3A_36 = tpu.matmul %mul3A_28, %convert_element_type3A_34, %dot_general3A_35 {dimension_numbers = #tpu.dot_dimension_numbers<[1], [1], [0], [0], [0, 0, 1, 0], [], []>, transpose_lhs_hint = false} : vector<256x1024xbf16>, vector<256x1024xbf16>, vector<256x256xf32> -> vector<256x256xf32>
      %get3A_37 = arith.constant 0 : index
      %get3A_38 = arith.constant 0 : index
      %get3A_39 = arith.constant 0 : index
      %get3A_40 = vector.load %arg6[%get3A_37, %get3A_38, %get3A_39] : memref<1x1x256xf32, #tpu.memory_space<vmem>>, vector<1x1x256xf32>
      %get3A_41 = vector.shape_cast %get3A_40 : vector<1x1x256xf32> to vector<1x256xf32>
      %add3A_42 = vector.broadcast %get3A_41 : vector<1x256xf32> to vector<256x256xf32>
      %add3A_43 = arith.addf %dot_general3A_36, %add3A_42 : vector<256x256xf32>
      %swap3A = arith.constant 0 : index
      %swap3A_44 = arith.constant 0 : index
      %swap3A_45 = vector.load %arg7[%swap3A, %swap3A_44] : memref<256x256xf32, #tpu.memory_space<vmem>>, vector<256x256xf32>
      tpu.vector_store %arg7[%swap3A, %swap3A_44], %add3A_43 {strides = array<i32>} : memref<256x256xf32, #tpu.memory_space<vmem>>, vector<256x256xf32>,
    } else {
    }
    return
  }
  func.func @transform_0(%arg0: i32, %arg1: memref<4xi32, #tpu.memory_space<smem>>) -> (i32, i32) {
    %c0_i32 = arith.constant 0 : i32
    %c0_i32_0 = arith.constant 0 : i32
    return %arg0, %c0_i32 : i32, i32
  }
  func.func @transform_1(%arg0: i32, %arg1: memref<4xi32, #tpu.memory_space<smem>>) -> (i32, i32, i32) {
    %get3A = arith.constant 0 : index
    %get3A_0 = memref.load %arg1[%get3A] : memref<4xi32, #tpu.memory_space<smem>>
    %le3A = arith.cmpi sle, %get3A_0, %arg0 : i32
    %convert_element_type3A = arith.extui %le3A : i1 to i32
    %get3A_1 = arith.constant 1 : index
    %get3A_2 = memref.load %arg1[%get3A_1] : memref<4xi32, #tpu.memory_space<smem>>
    %le3A_3 = arith.cmpi sle, %get3A_2, %arg0 : i32
    %convert_element_type3A_4 = arith.extui %le3A_3 : i1 to i32
    %add3A = arith.addi %convert_element_type3A, %convert_element_type3A_4 : i32
    %get3A_5 = arith.constant 2 : index
    %get3A_6 = memref.load %arg1[%get3A_5] : memref<4xi32, #tpu.memory_space<smem>>
    %le3A_7 = arith.cmpi sle, %get3A_6, %arg0 : i32
    %convert_element_type3A_8 = arith.extui %le3A_7 : i1 to i32
    %add3A_9 = arith.addi %add3A, %convert_element_type3A_8 : i32
    %c0_i32 = arith.constant 0 : i32
    %c0_i32_10 = arith.constant 0 : i32
    %c0_i32_11 = arith.constant 0 : i32
    return %add3A_9, %c0_i32, %c0_i32_10 : i32, i32, i32
  }
  func.func @transform_2(%arg0: i32, %arg1: memref<4xi32, #tpu.memory_space<smem>>) -> (i32, i32, i32) {
    %get3A = arith.constant 0 : index
    %get3A_0 = memref.load %arg1[%get3A] : memref<4xi32, #tpu.memory_space<smem>>
    %le3A = arith.cmpi sle, %get3A_0, %arg0 : i32
    %convert_element_type3A = arith.extui %le3A : i1 to i32
    %get3A_1 = arith.constant 1 : index
    %get3A_2 = memref.load %arg1[%get3A_1] : memref<4xi32, #tpu.memory_space<smem>>
    %le3A_3 = arith.cmpi sle, %get3A_2, %arg0 : i32
    %convert_element_type3A_4 = arith.extui %le3A_3 : i1 to i32
    %add3A = arith.addi %convert_element_type3A, %convert_element_type3A_4 : i32
    %get3A_5 = arith.constant 2 : index
    %get3A_6 = memref.load %arg1[%get3A_5] : memref<4xi32, #tpu.memory_space<smem>>
    %le3A_7 = arith.cmpi sle, %get3A_6, %arg0 : i32
    %convert_element_type3A_8 = arith.extui %le3A_7 : i1 to i32
    %add3A_9 = arith.addi %add3A, %convert_element_type3A_8 : i32
    %c0_i32 = arith.constant 0 : i32
    %c0_i32_10 = arith.constant 0 : i32
    %c0_i32_11 = arith.constant 0 : i32
    return %add3A_9, %c0_i32, %c0_i32_10 : i32, i32, i32
  }
  func.func @transform_3(%arg0: i32, %arg1: memref<4xi32, #tpu.memory_space<smem>>) -> (i32, i32, i32) {
    %get3A = arith.constant 0 : index
    %get3A_0 = memref.load %arg1[%get3A] : memref<4xi32, #tpu.memory_space<smem>>
    %le3A = arith.cmpi sle, %get3A_0, %arg0 : i32
    %convert_element_type3A = arith.extui %le3A : i1 to i32
    %get3A_1 = arith.constant 1 : index
    %get3A_2 = memref.load %arg1[%get3A_1] : memref<4xi32, #tpu.memory_space<smem>>
    %le3A_3 = arith.cmpi sle, %get3A_2, %arg0 : i32
    %convert_element_type3A_4 = arith.extui %le3A_3 : i1 to i32
    %add3A = arith.addi %convert_element_type3A, %convert_element_type3A_4 : i32
    %get3A_5 = arith.constant 2 : index
    %get3A_6 = memref.load %arg1[%get3A_5] : memref<4xi32, #tpu.memory_space<smem>>
    %le3A_7 = arith.cmpi sle, %get3A_6, %arg0 : i32
    %convert_element_type3A_8 = arith.extui %le3A_7 : i1 to i32
    %add3A_9 = arith.addi %add3A, %convert_element_type3A_8 : i32
    %c0_i32 = arith.constant 0 : i32
    %c0_i32_10 = arith.constant 0 : i32
    %c0_i32_11 = arith.constant 0 : i32
    return %add3A_9, %c0_i32, %c0_i32_10 : i32, i32, i32
  }
  func.func @transform_4(%arg0: i32, %arg1: memref<4xi32, #tpu.memory_space<smem>>) -> (i32, i32, i32) {
    %get3A = arith.constant 0 : index
    %get3A_0 = memref.load %arg1[%get3A] : memref<4xi32, #tpu.memory_space<smem>>
    %le3A = arith.cmpi sle, %get3A_0, %arg0 : i32
    %convert_element_type3A = arith.extui %le3A : i1 to i32
    %get3A_1 = arith.constant 1 : index
    %get3A_2 = memref.load %arg1[%get3A_1] : memref<4xi32, #tpu.memory_space<smem>>
    %le3A_3 = arith.cmpi sle, %get3A_2, %arg0 : i32
    %convert_element_type3A_4 = arith.extui %le3A_3 : i1 to i32
    %add3A = arith.addi %convert_element_type3A, %convert_element_type3A_4 : i32
    %get3A_5 = arith.constant 2 : index
    %get3A_6 = memref.load %arg1[%get3A_5] : memref<4xi32, #tpu.memory_space<smem>>
    %le3A_7 = arith.cmpi sle, %get3A_6, %arg0 : i32
    %convert_element_type3A_8 = arith.extui %le3A_7 : i1 to i32
    %add3A_9 = arith.addi %add3A, %convert_element_type3A_8 : i32
    %c0_i32 = arith.constant 0 : i32
    %c0_i32_10 = arith.constant 0 : i32
    %c0_i32_11 = arith.constant 0 : i32
    return %add3A_9, %c0_i32, %c0_i32_10 : i32, i32, i32
  }
  func.func @transform_5(%arg0: i32, %arg1: memref<4xi32, #tpu.memory_space<smem>>) -> (i32, i32) {
    %c0_i32 = arith.constant 0 : i32
    %c0_i32_0 = arith.constant 0 : i32
    return %arg0, %c0_i32 : i32, i32
  }
}

module attributes {stable_mosaic.version = 14 : i64} {
  func.func @_k5_body(%arg0: i32, %arg1: memref<512x256xf32, #tpu.memory_space<vmem>>, %arg2: memref<512x256xf32, #tpu.memory_space<vmem>>, %arg3: memref<512x1xf32, #tpu.memory_space<vmem>>, %arg4: memref<256x256xf32, #tpu.memory_space<vmem>>, %arg5: memref<1x256xf32, #tpu.memory_space<vmem>>, %arg6: memref<1x256xf32, #tpu.memory_space<vmem>>, %arg7: memref<1x256xf32, #tpu.memory_space<vmem>>, %arg8: memref<2000x256xbf16, #tpu.memory_space<vmem>>, %arg9: memref<1x2000xf32, #tpu.memory_space<vmem>>, %arg10: memref<64x256xf32, #tpu.memory_space<vmem>>, %arg11: memref<1x64xf32, #tpu.memory_space<vmem>>, %arg12: memref<1x64xf32, #tpu.memory_space<vmem>>, %arg13: memref<1x1xf32, #tpu.memory_space<vmem>>, %arg14: memref<512x2000xf32, #tpu.memory_space<vmem>>, %arg15: memref<512x1xf32, #tpu.memory_space<vmem>>) attributes {dimension_semantics = [#tpu.dimension_semantics<parallel>], iteration_bounds = array<i64: 4>, scalar_prefetch = 0 : i64, scratch_operands = 0 : i64, tpu.core_type = #tpu.core_type<tc>, window_params = [{transform_indices = @transform_0, window_bounds = array<i64: 512, 256>}, {transform_indices = @transform_1, window_bounds = array<i64: 512, 256>}, {transform_indices = @transform_2, window_bounds = array<i64: 512, 1>}, {pipeline_mode = #tpu.pipeline_mode<synchronous>, transform_indices = @transform_3, window_bounds = array<i64: 256, 256>}, {pipeline_mode = #tpu.pipeline_mode<synchronous>, transform_indices = @transform_4, window_bounds = array<i64: 1, 256>}, {pipeline_mode = #tpu.pipeline_mode<synchronous>, transform_indices = @transform_5, window_bounds = array<i64: 1, 256>}, {pipeline_mode = #tpu.pipeline_mode<synchronous>, transform_indices = @transform_6, window_bounds = array<i64: 1, 256>}, {pipeline_mode = #tpu.pipeline_mode<synchronous>, transform_indices = @transform_7, window_bounds = array<i64: 2000, 256>}, {pipeline_mode = #tpu.pipeline_mode<synchronous>, transform_indices = @transform_8, window_bounds = array<i64: 1, 2000>}, {pipeline_mode = #tpu.pipeline_mode<synchronous>, transform_indices = @transform_9, window_bounds = array<i64: 64, 256>}, {pipeline_mode = #tpu.pipeline_mode<synchronous>, transform_indices = @transform_10, window_bounds = array<i64: 1, 64>}, {pipeline_mode = #tpu.pipeline_mode<synchronous>, transform_indices = @transform_11, window_bounds = array<i64: 1, 64>}, {pipeline_mode = #tpu.pipeline_mode<synchronous>, transform_indices = @transform_12, window_bounds = array<i64: 1, 1>}, {transform_indices = @transform_13, window_bounds = array<i64: 512, 2000>}, {transform_indices = @transform_14, window_bounds = array<i64: 512, 1>}]} {
    %get3A = arith.constant 0 : index
    %get3A_0 = arith.constant 0 : index
    %get3A_1 = vector.load %arg1[%get3A, %get3A_0] : memref<512x256xf32, #tpu.memory_space<vmem>>, vector<512x256xf32>
    %get3A_2 = arith.constant 0 : index
    %get3A_3 = arith.constant 0 : index
    %get3A_4 = vector.load %arg3[%get3A_2, %get3A_3] : memref<512x1xf32, #tpu.memory_space<vmem>>, vector<512x1xf32>
    %get3A_5 = arith.constant 0 : index
    %get3A_6 = arith.constant 0 : index
    %get3A_7 = vector.load %arg2[%get3A_5, %get3A_6] : memref<512x256xf32, #tpu.memory_space<vmem>>, vector<512x256xf32>
    %mul3A = vector.broadcast %get3A_4 : vector<512x1xf32> to vector<512x256xf32>
    %mul3A_8 = arith.mulf %mul3A, %get3A_7 : vector<512x256xf32>
    %add3A = arith.addf %get3A_1, %mul3A_8 : vector<512x256xf32>
    %get3A_9 = arith.constant 0 : index
    %get3A_10 = arith.constant 0 : index
    %get3A_11 = vector.load %arg4[%get3A_9, %get3A_10] : memref<256x256xf32, #tpu.memory_space<vmem>>, vector<256x256xf32>
    %convert_element_type3A = arith.truncf %get3A_11 : vector<256x256xf32> to vector<256x256xbf16>
    %convert_element_type3A_12 = arith.truncf %add3A : vector<512x256xf32> to vector<512x256xbf16>
    %dot_general3A = arith.constant dense<0.000000e+00> : vector<512x256xf32>
    %dot_general3A_13 = tpu.matmul %convert_element_type3A_12, %convert_element_type3A, %dot_general3A {dimension_numbers = #tpu.dot_dimension_numbers<[1], [1], [0], [0], [0, 0, 1, 0], [], []>, transpose_lhs_hint = false} : vector<512x256xbf16>, vector<256x256xbf16>, vector<512x256xf32> -> vector<512x256xf32>
    %get3A_14 = arith.constant 0 : index
    %get3A_15 = arith.constant 0 : index
    %get3A_16 = vector.load %arg5[%get3A_14, %get3A_15] : memref<1x256xf32, #tpu.memory_space<vmem>>, vector<1x256xf32>
    %add3A_17 = vector.broadcast %get3A_16 : vector<1x256xf32> to vector<512x256xf32>
    %add3A_18 = arith.addf %dot_general3A_13, %add3A_17 : vector<512x256xf32>
    %get3A_19 = arith.constant 0 : index
    %get3A_20 = arith.constant 0 : index
    %get3A_21 = vector.load %arg6[%get3A_19, %get3A_20] : memref<1x256xf32, #tpu.memory_space<vmem>>, vector<1x256xf32>
    %get3A_22 = arith.constant 0 : index
    %get3A_23 = arith.constant 0 : index
    %get3A_24 = vector.load %arg7[%get3A_22, %get3A_23] : memref<1x256xf32, #tpu.memory_space<vmem>>, vector<1x256xf32>
    %reduce_sum3A = arith.constant dense<0.000000e+00> : vector<512xf32>
    %reduce_sum3A_25 = vector.multi_reduction <add>, %add3A_18, %reduce_sum3A [1] : vector<512x256xf32> to vector<512xf32>
    %broadcast_in_dim3A = vector.shape_cast %reduce_sum3A_25 : vector<512xf32> to vector<512x1xf32>
    %div3A = arith.constant 2.560000e+02 : f32
    %div3A_26 = vector.broadcast %div3A : f32 to vector<512x1xf32>
    %div3A_27 = arith.divf %broadcast_in_dim3A, %div3A_26 : vector<512x1xf32>
    %sub3A = vector.broadcast %div3A_27 : vector<512x1xf32> to vector<512x256xf32>
    %sub3A_28 = arith.subf %add3A_18, %sub3A : vector<512x256xf32>
    %integer_pow3A = arith.mulf %sub3A_28, %sub3A_28 : vector<512x256xf32>
    %reduce_sum3A_29 = arith.constant dense<0.000000e+00> : vector<512xf32>
    %reduce_sum3A_30 = vector.multi_reduction <add>, %integer_pow3A, %reduce_sum3A_29 [1] : vector<512x256xf32> to vector<512xf32>
    %broadcast_in_dim3A_31 = vector.shape_cast %reduce_sum3A_30 : vector<512xf32> to vector<512x1xf32>
    %div3A_32 = arith.constant 2.560000e+02 : f32
    %div3A_33 = vector.broadcast %div3A_32 : f32 to vector<512x1xf32>
    %div3A_34 = arith.divf %broadcast_in_dim3A_31, %div3A_33 : vector<512x1xf32>
    %sub3A_35 = vector.broadcast %div3A_27 : vector<512x1xf32> to vector<512x256xf32>
    %sub3A_36 = arith.subf %add3A_18, %sub3A_35 : vector<512x256xf32>
    %add3A_37 = arith.constant 9.99999974E-6 : f32
    %add3A_38 = vector.broadcast %add3A_37 : f32 to vector<512x1xf32>
    %add3A_39 = arith.addf %div3A_34, %add3A_38 : vector<512x1xf32>
    %sqrt3A = math.sqrt %add3A_39 : vector<512x1xf32>
    %div3A_40 = vector.broadcast %sqrt3A : vector<512x1xf32> to vector<512x256xf32>
    %div3A_41 = arith.divf %sub3A_36, %div3A_40 : vector<512x256xf32>
    %mul3A_42 = vector.broadcast %get3A_21 : vector<1x256xf32> to vector<512x256xf32>
    %mul3A_43 = arith.mulf %div3A_41, %mul3A_42 : vector<512x256xf32>
    %add3A_44 = vector.broadcast %get3A_24 : vector<1x256xf32> to vector<512x256xf32>
    %add3A_45 = arith.addf %mul3A_43, %add3A_44 : vector<512x256xf32>
    %convert_element_type3A_46 = arith.truncf %add3A_45 : vector<512x256xf32> to vector<512x256xbf16>
    %mul3A_47 = arith.constant 5.000000e-01 : bf16
    %mul3A_48 = vector.broadcast %mul3A_47 : bf16 to vector<512x256xbf16>
    %mul3A_49 = arith.mulf %mul3A_48, %convert_element_type3A_46 : vector<512x256xbf16>
    %mul3A_50 = arith.constant 7.070310e-01 : bf16
    %mul3A_51 = vector.broadcast %mul3A_50 : bf16 to vector<512x256xbf16>
    %mul3A_52 = arith.mulf %convert_element_type3A_46, %mul3A_51 : vector<512x256xbf16>
    %erf3A = math.erf %mul3A_52 : vector<512x256xbf16>
    %add3A_53 = arith.constant 1.000000e+00 : bf16
    %add3A_54 = vector.broadcast %add3A_53 : bf16 to vector<512x256xbf16>
    %add3A_55 = arith.addf %add3A_54, %erf3A : vector<512x256xbf16>
    %mul3A_56 = arith.mulf %mul3A_49, %add3A_55 : vector<512x256xbf16>
    %get3A_57 = arith.constant 0 : index
    %get3A_58 = arith.constant 0 : index
    %get3A_59 = vector.load %arg8[%get3A_57, %get3A_58] : memref<2000x256xbf16, #tpu.memory_space<vmem>>, vector<2000x256xbf16>
    %dot_general3A_60 = arith.constant dense<0.000000e+00> : vector<512x2000xf32>
    %dot_general3A_61 = tpu.matmul %mul3A_56, %get3A_59, %dot_general3A_60 {dimension_numbers = #tpu.dot_dimension_numbers<[1], [1], [0], [0], [0, 0, 1, 0], [], []>, transpose_lhs_hint = false} : vector<512x256xbf16>, vector<2000x256xbf16>, vector<512x2000xf32> -> vector<512x2000xf32>
    %get3A_62 = arith.constant 0 : index
    %get3A_63 = arith.constant 0 : index
    %get3A_64 = vector.load %arg9[%get3A_62, %get3A_63] : memref<1x2000xf32, #tpu.memory_space<vmem>>, vector<1x2000xf32>
    %add3A_65 = vector.broadcast %get3A_64 : vector<1x2000xf32> to vector<512x2000xf32>
    %add3A_66 = arith.addf %dot_general3A_61, %add3A_65 : vector<512x2000xf32>
    %exp3A = math.exp %add3A_66 : vector<512x2000xf32>
    %add3A_67 = arith.constant 1.000000e+00 : f32
    %add3A_68 = vector.broadcast %add3A_67 : f32 to vector<512x2000xf32>
    %add3A_69 = arith.addf %add3A_68, %exp3A : vector<512x2000xf32>
    %log3A = math.log %add3A_69 : vector<512x2000xf32>
    %swap3A = arith.constant 0 : index
    %swap3A_70 = arith.constant 0 : index
    %swap3A_71 = vector.load %arg14[%swap3A, %swap3A_70] : memref<512x2000xf32, #tpu.memory_space<vmem>>, vector<512x2000xf32>
    tpu.vector_store %arg14[%swap3A, %swap3A_70], %log3A {strides = array<i32>} : memref<512x2000xf32, #tpu.memory_space<vmem>>, vector<512x2000xf32>,
    %get3A_72 = arith.constant 0 : index
    %get3A_73 = arith.constant 0 : index
    %get3A_74 = vector.load %arg10[%get3A_72, %get3A_73] : memref<64x256xf32, #tpu.memory_space<vmem>>, vector<64x256xf32>
    %convert_element_type3A_75 = arith.truncf %get3A_74 : vector<64x256xf32> to vector<64x256xbf16>
    %convert_element_type3A_76 = arith.truncf %add3A : vector<512x256xf32> to vector<512x256xbf16>
    %dot_general3A_77 = arith.constant dense<0.000000e+00> : vector<512x64xf32>
    %dot_general3A_78 = tpu.matmul %convert_element_type3A_76, %convert_element_type3A_75, %dot_general3A_77 {dimension_numbers = #tpu.dot_dimension_numbers<[1], [1], [0], [0], [0, 0, 1, 0], [], []>, transpose_lhs_hint = false} : vector<512x256xbf16>, vector<64x256xbf16>, vector<512x64xf32> -> vector<512x64xf32>
    %get3A_79 = arith.constant 0 : index
    %get3A_80 = arith.constant 0 : index
    %get3A_81 = vector.load %arg11[%get3A_79, %get3A_80] : memref<1x64xf32, #tpu.memory_space<vmem>>, vector<1x64xf32>
    %add3A_82 = vector.broadcast %get3A_81 : vector<1x64xf32> to vector<512x64xf32>
    %add3A_83 = arith.addf %dot_general3A_78, %add3A_82 : vector<512x64xf32>
    %convert_element_type3A_84 = arith.truncf %add3A_83 : vector<512x64xf32> to vector<512x64xbf16>
    %mul3A_85 = arith.constant 5.000000e-01 : bf16
    %mul3A_86 = vector.broadcast %mul3A_85 : bf16 to vector<512x64xbf16>
    %mul3A_87 = arith.mulf %mul3A_86, %convert_element_type3A_84 : vector<512x64xbf16>
    %mul3A_88 = arith.constant 7.070310e-01 : bf16
    %mul3A_89 = vector.broadcast %mul3A_88 : bf16 to vector<512x64xbf16>
    %mul3A_90 = arith.mulf %convert_element_type3A_84, %mul3A_89 : vector<512x64xbf16>
    %erf3A_91 = math.erf %mul3A_90 : vector<512x64xbf16>
    %add3A_92 = arith.constant 1.000000e+00 : bf16
    %add3A_93 = vector.broadcast %add3A_92 : bf16 to vector<512x64xbf16>
    %add3A_94 = arith.addf %add3A_93, %erf3A_91 : vector<512x64xbf16>
    %mul3A_95 = arith.mulf %mul3A_87, %add3A_94 : vector<512x64xbf16>
    %get3A_96 = arith.constant 0 : index
    %get3A_97 = arith.constant 0 : index
    %get3A_98 = vector.load %arg12[%get3A_96, %get3A_97] : memref<1x64xf32, #tpu.memory_space<vmem>>, vector<1x64xf32>
    %convert_element_type3A_99 = arith.extf %mul3A_95 : vector<512x64xbf16> to vector<512x64xf32>
    %mul3A_100 = vector.broadcast %get3A_98 : vector<1x64xf32> to vector<512x64xf32>
    %mul3A_101 = arith.mulf %convert_element_type3A_99, %mul3A_100 : vector<512x64xf32>
    %reduce_sum3A_102 = arith.constant dense<0.000000e+00> : vector<512xf32>
    %reduce_sum3A_103 = vector.multi_reduction <add>, %mul3A_101, %reduce_sum3A_102 [1] : vector<512x64xf32> to vector<512xf32>
    %broadcast_in_dim3A_104 = vector.shape_cast %reduce_sum3A_103 : vector<512xf32> to vector<512x1xf32>
    %get3A_105 = arith.constant 0 : index
    %get3A_106 = arith.constant 0 : index
    %get3A_107 = vector.load %arg13[%get3A_105, %get3A_106] : memref<1x1xf32, #tpu.memory_space<vmem>>, vector<1x1xf32>
    %get3A_108 = vector.extract %get3A_107[0, 0] : f32 from vector<1x1xf32>
    %add3A_109 = vector.broadcast %get3A_108 : f32 to vector<512x1xf32>
    %add3A_110 = arith.addf %broadcast_in_dim3A_104, %add3A_109 : vector<512x1xf32>
    %neg3A = arith.constant 0.000000e+00 : f32
    %neg3A_111 = vector.broadcast %neg3A : f32 to vector<512x1xf32>
    %neg3A_112 = arith.subf %neg3A_111, %add3A_110 : vector<512x1xf32>
    %exp3A_113 = math.exp %neg3A_112 : vector<512x1xf32>
    %add3A_114 = arith.constant 1.000000e+00 : f32
    %add3A_115 = vector.broadcast %add3A_114 : f32 to vector<512x1xf32>
    %add3A_116 = arith.addf %add3A_115, %exp3A_113 : vector<512x1xf32>
    %div3A_117 = arith.constant 1.000000e+00 : f32
    %div3A_118 = vector.broadcast %div3A_117 : f32 to vector<512x1xf32>
    %div3A_119 = arith.divf %div3A_118, %add3A_116 : vector<512x1xf32>
    %swap3A_120 = arith.constant 0 : index
    %swap3A_121 = arith.constant 0 : index
    %swap3A_122 = vector.load %arg15[%swap3A_120, %swap3A_121] : memref<512x1xf32, #tpu.memory_space<vmem>>, vector<512x1xf32>
    tpu.vector_store %arg15[%swap3A_120, %swap3A_121], %div3A_119 {strides = array<i32>} : memref<512x1xf32, #tpu.memory_space<vmem>>, vector<512x1xf32>,
    return
  }
  func.func @transform_0(%arg0: i32) -> (i32, i32) {
    %c0_i32 = arith.constant 0 : i32
    %c0_i32_0 = arith.constant 0 : i32
    return %arg0, %c0_i32 : i32, i32
  }
  func.func @transform_1(%arg0: i32) -> (i32, i32) {
    %c0_i32 = arith.constant 0 : i32
    %c0_i32_0 = arith.constant 0 : i32
    return %arg0, %c0_i32 : i32, i32
  }
  func.func @transform_2(%arg0: i32) -> (i32, i32) {
    %c0_i32 = arith.constant 0 : i32
    %c0_i32_0 = arith.constant 0 : i32
    return %arg0, %c0_i32 : i32, i32
  }
  func.func @transform_3(%arg0: i32) -> (i32, i32) {
    %c0_i32 = arith.constant 0 : i32
    %c0_i32_0 = arith.constant 0 : i32
    %c0_i32_1 = arith.constant 0 : i32
    return %c0_i32, %c0_i32_0 : i32, i32
  }
  func.func @transform_4(%arg0: i32) -> (i32, i32) {
    %c0_i32 = arith.constant 0 : i32
    %c0_i32_0 = arith.constant 0 : i32
    %c0_i32_1 = arith.constant 0 : i32
    return %c0_i32, %c0_i32_0 : i32, i32
  }
  func.func @transform_5(%arg0: i32) -> (i32, i32) {
    %c0_i32 = arith.constant 0 : i32
    %c0_i32_0 = arith.constant 0 : i32
    %c0_i32_1 = arith.constant 0 : i32
    return %c0_i32, %c0_i32_0 : i32, i32
  }
  func.func @transform_6(%arg0: i32) -> (i32, i32) {
    %c0_i32 = arith.constant 0 : i32
    %c0_i32_0 = arith.constant 0 : i32
    %c0_i32_1 = arith.constant 0 : i32
    return %c0_i32, %c0_i32_0 : i32, i32
  }
  func.func @transform_7(%arg0: i32) -> (i32, i32) {
    %c0_i32 = arith.constant 0 : i32
    %c0_i32_0 = arith.constant 0 : i32
    %c0_i32_1 = arith.constant 0 : i32
    return %c0_i32, %c0_i32_0 : i32, i32
  }
  func.func @transform_8(%arg0: i32) -> (i32, i32) {
    %c0_i32 = arith.constant 0 : i32
    %c0_i32_0 = arith.constant 0 : i32
    %c0_i32_1 = arith.constant 0 : i32
    return %c0_i32, %c0_i32_0 : i32, i32
  }
  func.func @transform_9(%arg0: i32) -> (i32, i32) {
    %c0_i32 = arith.constant 0 : i32
    %c0_i32_0 = arith.constant 0 : i32
    %c0_i32_1 = arith.constant 0 : i32
    return %c0_i32, %c0_i32_0 : i32, i32
  }
  func.func @transform_10(%arg0: i32) -> (i32, i32) {
    %c0_i32 = arith.constant 0 : i32
    %c0_i32_0 = arith.constant 0 : i32
    %c0_i32_1 = arith.constant 0 : i32
    return %c0_i32, %c0_i32_0 : i32, i32
  }
  func.func @transform_11(%arg0: i32) -> (i32, i32) {
    %c0_i32 = arith.constant 0 : i32
    %c0_i32_0 = arith.constant 0 : i32
    %c0_i32_1 = arith.constant 0 : i32
    return %c0_i32, %c0_i32_0 : i32, i32
  }
  func.func @transform_12(%arg0: i32) -> (i32, i32) {
    %c0_i32 = arith.constant 0 : i32
    %c0_i32_0 = arith.constant 0 : i32
    %c0_i32_1 = arith.constant 0 : i32
    return %c0_i32, %c0_i32_0 : i32, i32
  }
  func.func @transform_13(%arg0: i32) -> (i32, i32) {
    %c0_i32 = arith.constant 0 : i32
    %c0_i32_0 = arith.constant 0 : i32
    return %arg0, %c0_i32 : i32, i32
  }
  func.func @transform_14(%arg0: i32) -> (i32, i32) {
    %c0_i32 = arith.constant 0 : i32
    %c0_i32_0 = arith.constant 0 : i32
    return %arg0, %c0_i32 : i32, i32
  }
}

</mosaic_0001>

<sc_bundles>
// kernel: kernel.10.cloned.1.call-start
scs
__scs_entry_jumppad:
0x0: {  	(pc) =	sbr.rel $0x88, $3  }
0x1: {  	(tag) =	ssettag $0x0;
	lr =	simm.s32 $0x1  }
0x2: {  	[smem:$0x3F83] =	sst lr;
	_ =	strace $0xD0000000  }
0x3: {  	_ = 	snop  }
0x4: {  	_ = 	snop  }
0x5: {  	_ = 	snop  }
0x6: {  	_ = 	snop  }
0x7: {  	_ = 	snop  }
__scs_overlays_trampoline_lowered:
0x8: {  	[smem:$0x3F92] =	sst s0  }
0x9: {  	[smem:$0x3F93] =	sst s1  }
0xa: {  	[smem:$0x3F94] =	sst s2  }
0xb: {  	[smem:$0x3F95] =	sst s3  }
0xc: {  	[smem:$0x3F96] =	sst s4  }
0xd: {  	[smem:$0x3F97] =	sst s5  }
0xe: {  	[smem:$0x3F98] =	sst s6  }
0xf: {  	[smem:$0x3F99] =	sst s7  }
0x10: {  	[smem:$0x3F9A] =	sst s8  }
0x11: {  	[smem:$0x3F9B] =	sst s9;
	s0 =	simm.s32 @!p0 $0x0  }
0x12: {  	s1 =	sld [smem:$0x3F81];
	s0 =	simm.s32 @p0 $0x1  }
0x13: {  	[smem:$0x3F9C] =	sst s0;
	s0 =	simm.s32 @!p1 $0x0  }
0x14: {  	s2 =	sld [smem:$0x3F80];
	s0 =	simm.s32 @p1 $0x1  }
0x15: {  	[smem:$0x3F9D] =	sst s0;
	s0 =	simm.s32 @!p2 $0x0  }
0x16: {  	s3 =	sld [smem:$0x3FDB];
	s0 =	simm.s32 @p2 $0x1  }
0x17: {  	s4 =	simm.s32 $0x1BF5;
	[smem:$0x3F9F] =	sst s0  }
0x18: {  	s0 =	sld [smem:$0x3F82];
	_ =	swait.ge [sflag:s4], $0x0  }
0x19: {  	s7 =	sld [smem:$0x3F83]  }
0x1a: {  	s8 =	sadd.s32 $0xFFFFE003, lr  }
0x1b: {  	s9 =	sadd.s32 $0xFFFFFEF7, lr;
	s5 =	simm.s32 $0xFFFFFFFF;
	p2 =	slt.u32 s8, $0xFFFFF086  }
0x1c: {  	p1 =	slt.u32 s9, $0xF7A;
	s5 =	simm.s32 @!p2 $0x0  }
0x1d: {  	s5 =	simm.s32 @p1 $0x1;
	p0 =	seq.s32 s7, s2  }
0x1e: {  	s7 =	smul.u32 @!p0 $0xF7A, s2;
	p2 =	seq.s32 @!p0 s5, $0x0  }
0x1f: {  	s9 =	smul.u32 $0xF7A, s1;
	s8 =	simm.s32 @!p0 $0x1BF5;
	p2 =	por !p2, p0  }
0x20: {  	[sflag:s8] =	ssyncset.s32 @!p0 $0xFFFFF086;
	s6 =	sadd.s32 @!p0 s3, s7;
	s7 =	simm.s32 @!p0 $0x108  }
0x21: {  	s3 =	sadd.s32 s3, s9;
	s6 =	sadd.s32 @!p0 $0x88, s6;
	s7 =	simm.s32 @p2 $0x1082  }
0x22: {  	[simem:s7], [sflag:s8] =	dma.local @!p0 [hbm:s6], $0xF7A  }
0x23: {  	s9 =	sor.u32 $0xD0000000, s2;
	s6 =	simm.s32 $0x108;
	_ =	swait.ge @!p0 [sflag:s8], $0x0  }
0x24: {  	s3 =	sadd.s32 $0x88, s3;
	s6 =	simm.s32 @!p1 $0x1082;
	[sflag:s4] =	ssyncset.s32 $0xFFFFF086  }
0x25: {  	[simem:s6], [sflag:s4] =	dma.local [hbm:s3], $0xF7A  }
0x26: {  	[smem:$0x3F83] =	sst s1;
	(tag) =	ssettag s2;
	_ =	strace s9  }
0x27: {  	s1 =	sld [smem:$0x3F93]  }
0x28: {  	s2 =	sld [smem:$0x3F94]  }
0x29: {  	s4 =	sld [smem:$0x3F96]  }
0x2a: {  	p0 =	seq.s32 s5, $0x0;
	s5 =	sld [smem:$0x3F97]  }
0x2b: {  	s6 =	sld [smem:$0x3F98]  }
0x2c: {  	s7 =	sld [smem:$0x3F99]  }
0x2d: {  	s3 =	simm.s32 $0x108;
	s8 =	sld [smem:$0x3F9A]  }
0x2e: {  	s3 =	simm.s32 @!p0 $0x1082;
	s9 =	sld [smem:$0x3F9B]  }
0x2f: {  	lr =	sadd.s32 s0, s3;
	s0 =	sld [smem:$0x3F92]  }
0x30: {  	s3 =	sld [smem:$0x3F95]  }
0x31: {  	[smem:$0x3F9E] =	sst s10  }
0x32: {  	s10 =	sld [smem:$0x3F9C];
	_ =	sdelay $0x3  }
0x33: {  	p0 =	seq.s32 s10, $0x1;
	s10 =	sld [smem:$0x3F9E];
	_ =	sdelay $0x3  }
0x34: {  	[smem:$0x3F9E] =	sst s10  }
0x35: {  	s10 =	sld [smem:$0x3F9D];
	_ =	sdelay $0x3  }
0x36: {  	p1 =	seq.s32 s10, $0x1;
	s10 =	sld [smem:$0x3F9E];
	_ =	sdelay $0x3  }
0x37: {  	[smem:$0x3F9E] =	sst s10  }
0x38: {  	s10 =	sld [smem:$0x3F9F]  }
0x39: {  	_ = 	snop;
	(pc) =	sbr.ind lr, $3  }
0x3a: {  	_ = 	snop  }
0x3b: {  	_ = 	snop  }
0x3c: {  	p2 =	seq.s32 s10, $0x1;
	s10 =	sld [smem:$0x3F9E]  }
0x3d: {  	_ =	shalt  }
0x3e: {  	_ =	shalt  }
0x3f: {  	_ =	shalt  }
0x40: {  	_ =	shalt  }
0x41: {  	_ =	shalt  }
0x42: {  	_ =	shalt  }
0x43: {  	_ =	shalt  }
0x44: {  	_ =	shalt  }
0x45: {  	_ =	shalt  }
0x46: {  	_ =	shalt  }
0x47: {  	_ =	shalt  }
0x48: {  	_ =	shalt  }
0x49: {  	_ =	shalt  }
0x4a: {  	_ =	shalt  }
0x4b: {  	_ =	shalt  }
0x4c: {  	_ =	shalt  }
0x4d: {  	_ =	shalt  }
0x4e: {  	_ =	shalt  }
0x4f: {  	_ =	shalt  }
0x50: {  	_ =	shalt  }
0x51: {  	_ =	shalt  }
0x52: {  	_ =	shalt  }
0x53: {  	_ =	shalt  }
0x54: {  	_ =	shalt  }
0x55: {  	_ =	shalt  }
0x56: {  	_ =	shalt  }
0x57: {  	_ =	shalt  }
0x58: {  	_ =	shalt  }
0x59: {  	_ =	shalt  }
0x5a: {  	_ =	shalt  }
0x5b: {  	_ =	shalt  }
0x5c: {  	_ =	shalt  }
0x5d: {  	_ =	shalt  }
0x5e: {  	_ =	shalt  }
0x5f: {  	_ =	shalt  }
0x60: {  	_ =	shalt  }
0x61: {  	_ =	shalt  }
0x62: {  	_ =	shalt  }
0x63: {  	_ =	shalt  }
0x64: {  	_ =	shalt  }
0x65: {  	_ =	shalt  }
0x66: {  	_ =	shalt  }
0x67: {  	_ =	shalt  }
0x68: {  	_ =	shalt  }
0x69: {  	_ =	shalt  }
0x6a: {  	_ =	shalt  }
0x6b: {  	_ =	shalt  }
0x6c: {  	_ =	shalt  }
0x6d: {  	_ =	shalt  }
0x6e: {  	_ =	shalt  }
0x6f: {  	_ =	shalt  }
0x70: {  	_ =	shalt  }
0x71: {  	_ =	shalt  }
0x72: {  	_ =	shalt  }
0x73: {  	_ =	shalt  }
0x74: {  	_ =	shalt  }
0x75: {  	_ =	shalt  }
0x76: {  	_ =	shalt  }
0x77: {  	_ =	shalt  }
0x78: {  	_ =	shalt  }
0x79: {  	_ =	shalt  }
0x7a: {  	_ =	shalt  }
0x7b: {  	_ =	shalt  }
0x7c: {  	_ =	shalt  }
0x7d: {  	_ =	shalt  }
0x7e: {  	_ =	shalt  }
0x7f: {  	_ =	shalt  }
0x80: {  	_ =	shalt  }
0x81: {  	_ =	shalt  }
0x82: {  	_ =	shalt  }
0x83: {  	_ =	shalt  }
0x84: {  	_ =	shalt  }
0x85: {  	_ =	shalt  }
0x86: {  	_ =	shalt  }
0x87: {  	_ =	shalt  }
.Lfunc_end0:
.L_simem_size_0:
called_computation.1_lowered:
.L_overlay_start_0:
0x88: {  	s2 =	sld [smem:$0x3FD9]  }
0x89: {  	s3 =	sld [smem:$0x3FFE];
	_ =	sdelay $0x1  }
0x8a: {  	s1 =	srdreg.scid  }
0x8b: {  	s0 =	sand.u32 $0x1, s1  }
0x8c: {  	s14 =	sshll.u32 s0, $0xA;
	s2 =	sadd.s32 s3, s2  }
0x8d: {  	s2 =	sadd.s32 s2, s14  }
0x8e: {  	[smem:$0x3FAA] =	sst s2  }
0x8f: {  	_ = 	snop  }
0x90: {  	s2 =	sld [smem:$0x3FD0];
	_ =	sdelay $0x2  }
0x91: {  	s15 =	simm.s32 $0xA;
	s4 =	simm.s32 $0x10  }
0x92: {  	[smem:s4], [sflag:s15] =	dma.local [hbm:s2], $0x1  }
0x93: {  	_ =	swait.eq [sflag:s15], $0x1  }
0x94: {  	[sflag:s15] =	ssyncset.done $0x0  }
0x95: {  	s16 =	sld [smem:$0x10];
	[sflag:s15] =	ssyncadd.s32 $0xFFFFFFFF  }
0x96: {  	s17 =	sld [smem:$0x11];
	(tm) =	ssettm $0x1  }
0x97: {  	s18 =	sld [smem:$0x3FFB];
	_ =	sdelay $0x3  }
0x98: {  	_ =	strace s18  }
0x99: {  	s4 =	sld [smem:$0x3FFC];
	_ =	sdelay $0x3  }
0x9a: {  	_ =	strace s4  }
0x9b: {  	s4 =	sld [smem:$0x3FFD];
	_ =	sdelay $0x3  }
0x9c: {  	_ =	strace s4  }
0x9d: {  	_ =	strace $0x8FFFFFFF  }
0x9e: {  	s19 =	sld [smem:$0x3FDB];
	_ =	sdelay $0x1  }
0x9f: {  	s5 =	simm.s32 $_scs_section_size  }
0xa0: {  	s6 =	simm.s32 $_size__tile_overlayer_lowered;
	s7 =	simm.s32 $_tile_overlayer_lowered  }
0xa1: {  	s22 =	simm.s32 $0x1BFF;
	s21 =	sshll.u32 s7, $0x1;
	s4 =	sadd.s32 s5, s19  }
0xa2: {  	s8 =	simm.s32 $0x0;
	s20 =	sshll.u32 s6, $0x1;
	s6 =	sadd.s32 s21, s4  }
0xa3: {  	[timem:s8], [sflag:s22] =	dma.local [hbm:s6], s20  }
0xa4: {  	_ =	swait.ge [sflag:s22], s20  }
0xa5: {  	s5 =	ssub.s32 $0x0, s20;
	[sflag:s22] =	ssyncset.done $0x0  }
0xa6: {  	[sflag:s22] =	ssyncadd.s32 s5;
	_ =	sdelay $0x1  }
0xa7: {  	s23 =	simm.s32 $0x1B8B  }
0xa8: {  	_ =	swait.ge [sflag:s23], $0x1  }
0xa9: {  	[sflag:s23] =	ssyncset.done $0x0  }
0xaa: {  	s25 =	simm.s32 $0x1B8E;
	s24 =	sld [smem:$0x3FFE];
	[sflag:s23] =	ssyncadd.s32 $0xFFFFFFFF  }
0xab: {  	s26 =	simm.s32 $execute0_lowered;
	[smem:$0x3FD2] =	sst s25  }
0xac: {  	s6 =	sshll.u32 s26, $0x1;
	_ =	strace $0x80000049;
	[dreg:$0x1] =	wrdreg $0xFFFFFFFF  }
0xad: {  	s28 =	simm.s32 $_size_execute0_lowered;
	s4 =	sadd.s32 s4, s6;
	[dreg:$0x0] =	wrdreg $0x0  }
0xae: {  	s6 =	sshll.u32 s28, $0x1;
	[dreg:$0x2] =	wrdreg s4  }
0xaf: {  	[dreg:$0x3] =	wrdreg s6  }
0xb0: {  	[dreg:$0x4] =	wrdreg $0xC0  }
0xb1: {  	_ =	task [dreg:s8], $0x5FFFF  }
0xb2: {  	[dreg:$0x1] =	wrdreg $0xFFFFFFFF  }
0xb3: {  	[dreg:$0x0] =	wrdreg $0x60  }
0xb4: {  	[dreg:$0x2] =	wrdreg s16  }
0xb5: {  	[dreg:$0x3] =	wrdreg s17  }
0xb6: {  	[dreg:$0x4] =	wrdreg s24  }
0xb7: {  	[dreg:$0x5] =	wrdreg $0x9  }
0xb8: {  	_ =	task.clear_ibuf [dreg:s8], $0x6FFFF;
	_ =	strace $0x90000049  }
0xb9: {  	s29 =	simm.s32 $0x9;
	_ =	strace $0x8000004B  }
0xba: {  	_ =	swait.ge [sflag:s29], $0x1  }
0xbb: {  	[sflag:s29] =	ssyncadd.s32 $0xFFFFFFFF  }
0xbc: {  	_ =	strace $0x9000004B  }
0xbd: {  	_ =	sfence  }
0xbe: {  	s30 =	sld [smem:$0x0];
	_ =	sdelay $0x2  }
0xbf: {  	s31 =	sshll.u32 s1, $0xD;
	s1 =	sshrl.u32 s1, $0x2  }
0xc0: {  	s3 =	sand.u32 $0x4000, s31;
	s1 =	sadd.s32 s1, s30  }
0xc1: {  	s0 =	sor.u32 s3, s0;
	s1 =	sshll.u32 s1, $0x11  }
0xc2: {  	s0 =	sor.u32 s1, s0  }
0xc3: {  	s0 =	sadd.s32 $0x8F2B, s0  }
0xc4: {  	[sflag:s0] =	ssyncadd.remote.s32 $0x1  }
0xc5: {  	_ =	sfence.sel $0xFFFF  }
0xc6: {  	[dreg:$0x0] =	wrdreg $0xFFFFFFFF;
	(pc) =	sbr.abs _section_cstart, $3  }
0xc7: {  	[dreg:$0x1] =	wrdreg $0xFFFFFFFF  }
0xc8: {  	_ =	task.clear_ibuf [dreg:s8], $0x2FFFF;
	_ =	strace $0x9FFFFFFF  }
0xc9: {  	(tm) =	ssettm $0x7FFFFFFF  }
tec
execute0_lowered:
.L_overlay_start_1:
0x0: {  	(tag) =	ssettag $0x1  }
0x1: {  	s1 =	rddreg [dreg:$0x0]  }
0x2: {  	s4 =	rddreg [dreg:$0x1]  }
0x3: {  	s5 =	rddreg [dreg:$0x2]  }
0x4: {  	s0 =	rddreg [dreg:$0x3];
	s6 =	srdreg.scid  }
0x5: {  	s3 =	simm.s32 $0x0;
	s2 =	stileid.u32;
	s10 =	simm.s32 $0x1080  }
0x6: {  	s11 =	simm.s32 $0x1880;
	s12 =	simm.s32 $0x2080;
	s13 =	simm.s32 $0x2880  }
0x7: {  	s14 =	simm.s32 $0x3080;
	s15 =	simm.s32 $0x3880;
	s6 =	sand.u32 $0x1, s6  }
0x8: {  	s16 =	simm.s32 $0x1;
	s7 =	sshll.u32 s2, $0x7;
	s8 =	sshll.u32 s6, $0x6  }
0x9: {  	[smem:$0x7FF] =	sst s3;
	s6 =	ssub.s32 $0x2, s6;
	s7 =	sor.u32 s8, s7  }
0xa: {  	_ =	strace $0x8000004A;
	s9 =	sshrl.u32 s6, $0x1;
	s8 =	sshll.u32 s7, $0x5  }
0xb: {  	v2 =	vlaneseq.u32;
	s7 =	sshrl.u32 s7, $0x3;
	s6 =	ssub.s32 s6, s9;
	s9 =	simm.s32 $0x880  }
0xc: {  	vm0 =	vmmov $0xffff;
	v1 =	vshrl.u32 v2, $0x3;
	s5 =	sadd.s32 s8, s5;
	s4 =	sadd.s32 s4, s7;
	s6 =	smax.u32 s6, $0x1  }
0xd: {  	v0 =	vand.u32 $0x7, v2;
	v2 =	vor.u32 $0x8, v2;
	v1 =	vmul.u32 $0x8, v1;
	s7 =	simm.s32 $0x2;
	s8 =	simm.s32 $0x80;
	s5 =	sadd.s32 $0x14000, s5  }
.LBB2_1:
0xe: {  	[tilespmem:s3], [sflag:$0x2] =	stream.linear.gather [hbm4b:s4+s3], $0x40, $0x38;
	[tilespmem:$0x4080] =	vst v63  }
0xf: {  	_ =	swait.ge [sflag:s7], $0x40  }
0x10: {  	[sflag:s7] =	ssyncset.done $0x0  }
0x11: {  	[sflag:s7] =	ssyncadd.s32 $0xFFFFFFC0  }
0x12: {  	v3 =	vld [tilespmem:$0x0];
	_ =	sdelay $0x4  }
0x13: {  	v4 =	vshll.u32 v3, $0x1  }
0x14: {  	v3 =	vand.u32 $0x7, v3;
	v4 =	vand.u32 $0xFFFFFFF0, v4  }
0x15: {  	v3 =	vor.u32 v3, v4  }
0x16: {  	v4 =	vperm.xlane v3, v0;
	_ =	sdelay $0x1  }
0x17: {  	v3 =	vperm.xlane v3, v2;
	v4 =	vadd.s32 v1, v4;
	_ =	sdelay $0x1  }
0x18: {  	v3 =	vadd.s32 v1, v3;
	_ =	sdelay $0x2  }
0x19: {  	[tilespmem:s8], [sflag:$0x1] =	stream.indirect_vreg.gather [hbm4b:s1+s3], $0x80, v4, vm0, $0xb8;
	[tilespmem:$0x4080] =	vst v63  }
0x1a: {  	_ = 	snop  }
0x1b: {  	[tilespmem:s9], [sflag:$0x1] =	stream.indirect_vreg.gather [hbm4b:s1+s3], $0x80, v3, vm0, $0xb8;
	[tilespmem:$0x4080] =	vst v63  }
0x1c: {  	v3 =	vld [tilespmem:$0x10];
	_ =	sdelay $0x4  }
0x1d: {  	v61 =	vshll.u32 v3, $0x1  }
0x1e: {  	v3 =	vand.u32 $0x7, v3;
	v4 =	vand.u32 $0xFFFFFFF0, v61  }
0x1f: {  	v3 =	vor.u32 v3, v4  }
0x20: {  	v4 =	vperm.xlane v3, v0;
	_ =	sdelay $0x1  }
0x21: {  	v3 =	vperm.xlane v3, v2;
	v4 =	vadd.s32 v1, v4;
	_ =	sdelay $0x1  }
0x22: {  	v3 =	vadd.s32 v1, v3;
	_ =	sdelay $0x2  }
0x23: {  	[tilespmem:s10], [sflag:$0x1] =	stream.indirect_vreg.gather [hbm4b:s1+s3], $0x80, v4, vm0, $0xb8;
	[tilespmem:$0x4080] =	vst v63  }
0x24: {  	_ = 	snop  }
0x25: {  	[tilespmem:s11], [sflag:$0x1] =	stream.indirect_vreg.gather [hbm4b:s1+s3], $0x80, v3, vm0, $0xb8;
	[tilespmem:$0x4080] =	vst v63  }
0x26: {  	v3 =	vld [tilespmem:$0x20];
	_ =	sdelay $0x4  }
0x27: {  	v62 =	vshll.u32 v3, $0x1  }
0x28: {  	v3 =	vand.u32 $0x7, v3;
	v4 =	vand.u32 $0xFFFFFFF0, v62  }
0x29: {  	v3 =	vor.u32 v3, v4  }
0x2a: {  	v4 =	vperm.xlane v3, v0;
	_ =	sdelay $0x1  }
0x2b: {  	v3 =	vperm.xlane v3, v2;
	v4 =	vadd.s32 v1, v4;
	_ =	sdelay $0x1  }
0x2c: {  	v3 =	vadd.s32 v1, v3;
	_ =	sdelay $0x2  }
0x2d: {  	[tilespmem:s12], [sflag:$0x1] =	stream.indirect_vreg.gather [hbm4b:s1+s3], $0x80, v4, vm0, $0xb8;
	[tilespmem:$0x4080] =	vst v63  }
0x2e: {  	_ = 	snop  }
0x2f: {  	[tilespmem:s13], [sflag:$0x1] =	stream.indirect_vreg.gather [hbm4b:s1+s3], $0x80, v3, vm0, $0xb8;
	[tilespmem:$0x4080] =	vst v63  }
0x30: {  	v3 =	vld [tilespmem:$0x30];
	_ =	sdelay $0x4  }
0x31: {  	v63 =	vshll.u32 v3, $0x1  }
0x32: {  	v3 =	vand.u32 $0x7, v3;
	v4 =	vand.u32 $0xFFFFFFF0, v63  }
0x33: {  	v3 =	vor.u32 v3, v4  }
0x34: {  	v4 =	vperm.xlane v3, v0;
	_ =	sdelay $0x1  }
0x35: {  	v3 =	vperm.xlane v3, v2;
	v4 =	vadd.s32 v1, v4;
	_ =	sdelay $0x1  }
0x36: {  	v3 =	vadd.s32 v1, v3;
	_ =	sdelay $0x2  }
0x37: {  	[tilespmem:s14], [sflag:$0x1] =	stream.indirect_vreg.gather [hbm4b:s1+s3], $0x80, v4, vm0, $0xb8;
	[tilespmem:$0x4080] =	vst v63  }
0x38: {  	_ = 	snop  }
0x39: {  	[tilespmem:s15], [sflag:$0x1] =	stream.indirect_vreg.gather [hbm4b:s1+s3], $0x80, v3, vm0, $0xb8;
	[tilespmem:$0x4080] =	vst v63  }
0x3a: {  	_ =	swait.ge [sflag:s16], $0x4000  }
0x3b: {  	p0 =	sne.s32 s6, $0x1;
	[sflag:s16] =	ssyncset.done $0x0  }
.Ltmp0:
0x3c: {  	[sflag:s16] =	ssyncadd.s32 $0xFFFFC000;
	(pc) =	sbr.rel @p0 .LBB2_1-.Ltmp0, $4  }
0x3d: {  	[hbm4b:s5+s3] =	stream.linear.scatter [tilespmem:s8], [sflag:$0x2], $0x4000, $0x38;
	[tilespmem:$0x4080] =	vst v63  }
0x3e: {  	_ =	swait.ge [sflag:s7], $0x4000  }
0x3f: {  	[sflag:s7] =	ssyncset.done $0x0  }
0x40: {  	s6 =	sadd.s32 $0xFFFFFFFF, s6;
	[sflag:s7] =	ssyncadd.s32 $0xFFFFC000  }
0x41: {  	_ =	sfence.sel $0x180000  }
0x42: {  	[bflag:$0x0] =	sbarrier.arrive $0xFFFF  }
0x43: {  	p0 =	sne.s32 s2, $0x0;
	_ =	strace $0x9000004A  }
0x44: {  	s0 =	sadd.s32 @!p0 $0x100000, s0;
	[bflag:$0x2] =	sbarrier.arrive $0xFFFF  }
0x45: {  	[sflag:s0] =	ssyncadd.tile.s32 @!p0 $0x1;
	_ =	shalt  }
.Lfunc_end2:
_tile_overlayer_lowered:
.L_overlay_start_2:
0x46: {  	(tag) =	ssettag $0x2  }
0x47: {  	s0 =	rddreg [dreg:$0x0];
	s2 =	stileid.u32  }
0x48: {  	s1 =	rddreg [dreg:$0x1];
	p0 =	sne.s32 s2, $0x0  }
0x49: {  	s3 =	rddreg [dreg:$0x2];
	[bflag:$0x3] =	sbarrier.arrive $0xFFFF;
	s2 =	simm.s32 @!p0 $0x1C02  }
0x4a: {  	[timem:s3], [sflag:s2] =	dma.local @!p0 [hbm:s0], s1  }
0x4b: {  	s0 =	simm.s32 @!p0 $0x2  }
0x4c: {  	_ =	swait.ge @!p0 [sflag:s0], s1  }
0x4d: {  	s1 =	ssub.s32 @!p0 $0x0, s1;
	[sflag:s0] =	ssyncset.done @!p0 $0x0  }
0x4e: {  	[sflag:s0] =	ssyncadd.s32 @!p0 s1  }
0x4f: {  	[bflag:$0x3] =	sbarrier.arrive $0xFFFF  }
0x50: {  	_ =	shalt  }

// kernel: kernel.7.cloned.1.call-start
scs
__scs_entry_jumppad:
0x0: {  	(pc) =	sbr.rel $0x88, $3  }
0x1: {  	(tag) =	ssettag $0x0;
	lr =	simm.s32 $0x1  }
0x2: {  	[smem:$0x3F83] =	sst lr;
	_ =	strace $0xD0000000  }
0x3: {  	_ = 	snop  }
0x4: {  	_ = 	snop  }
0x5: {  	_ = 	snop  }
0x6: {  	_ = 	snop  }
0x7: {  	_ = 	snop  }
__scs_overlays_trampoline_lowered:
0x8: {  	[smem:$0x3F92] =	sst s0  }
0x9: {  	[smem:$0x3F93] =	sst s1  }
0xa: {  	[smem:$0x3F94] =	sst s2  }
0xb: {  	[smem:$0x3F95] =	sst s3  }
0xc: {  	[smem:$0x3F96] =	sst s4  }
0xd: {  	[smem:$0x3F97] =	sst s5  }
0xe: {  	[smem:$0x3F98] =	sst s6  }
0xf: {  	[smem:$0x3F99] =	sst s7  }
0x10: {  	[smem:$0x3F9A] =	sst s8  }
0x11: {  	[smem:$0x3F9B] =	sst s9;
	s0 =	simm.s32 @!p0 $0x0  }
0x12: {  	s1 =	sld [smem:$0x3F81];
	s0 =	simm.s32 @p0 $0x1  }
0x13: {  	[smem:$0x3F9C] =	sst s0;
	s0 =	simm.s32 @!p1 $0x0  }
0x14: {  	s2 =	sld [smem:$0x3F80];
	s0 =	simm.s32 @p1 $0x1  }
0x15: {  	[smem:$0x3F9D] =	sst s0;
	s0 =	simm.s32 @!p2 $0x0  }
0x16: {  	s3 =	sld [smem:$0x3FDB];
	s0 =	simm.s32 @p2 $0x1  }
0x17: {  	s4 =	simm.s32 $0x1BF5;
	[smem:$0x3F9F] =	sst s0  }
0x18: {  	s0 =	sld [smem:$0x3F82];
	_ =	swait.ge [sflag:s4], $0x0  }
0x19: {  	s7 =	sld [smem:$0x3F83]  }
0x1a: {  	s8 =	sadd.s32 $0xFFFFE003, lr  }
0x1b: {  	s9 =	sadd.s32 $0xFFFFFEF7, lr;
	s5 =	simm.s32 $0xFFFFFFFF;
	p2 =	slt.u32 s8, $0xFFFFF086  }
0x1c: {  	p1 =	slt.u32 s9, $0xF7A;
	s5 =	simm.s32 @!p2 $0x0  }
0x1d: {  	s5 =	simm.s32 @p1 $0x1;
	p0 =	seq.s32 s7, s2  }
0x1e: {  	s7 =	smul.u32 @!p0 $0xF7A, s2;
	p2 =	seq.s32 @!p0 s5, $0x0  }
0x1f: {  	s9 =	smul.u32 $0xF7A, s1;
	s8 =	simm.s32 @!p0 $0x1BF5;
	p2 =	por !p2, p0  }
0x20: {  	[sflag:s8] =	ssyncset.s32 @!p0 $0xFFFFF086;
	s6 =	sadd.s32 @!p0 s3, s7;
	s7 =	simm.s32 @!p0 $0x108  }
0x21: {  	s3 =	sadd.s32 s3, s9;
	s6 =	sadd.s32 @!p0 $0x88, s6;
	s7 =	simm.s32 @p2 $0x1082  }
0x22: {  	[simem:s7], [sflag:s8] =	dma.local @!p0 [hbm:s6], $0xF7A  }
0x23: {  	s9 =	sor.u32 $0xD0000000, s2;
	s6 =	simm.s32 $0x108;
	_ =	swait.ge @!p0 [sflag:s8], $0x0  }
0x24: {  	s3 =	sadd.s32 $0x88, s3;
	s6 =	simm.s32 @!p1 $0x1082;
	[sflag:s4] =	ssyncset.s32 $0xFFFFF086  }
0x25: {  	[simem:s6], [sflag:s4] =	dma.local [hbm:s3], $0xF7A  }
0x26: {  	[smem:$0x3F83] =	sst s1;
	(tag) =	ssettag s2;
	_ =	strace s9  }
0x27: {  	s1 =	sld [smem:$0x3F93]  }
0x28: {  	s2 =	sld [smem:$0x3F94]  }
0x29: {  	s4 =	sld [smem:$0x3F96]  }
0x2a: {  	p0 =	seq.s32 s5, $0x0;
	s5 =	sld [smem:$0x3F97]  }
0x2b: {  	s6 =	sld [smem:$0x3F98]  }
0x2c: {  	s7 =	sld [smem:$0x3F99]  }
0x2d: {  	s3 =	simm.s32 $0x108;
	s8 =	sld [smem:$0x3F9A]  }
0x2e: {  	s3 =	simm.s32 @!p0 $0x1082;
	s9 =	sld [smem:$0x3F9B]  }
0x2f: {  	lr =	sadd.s32 s0, s3;
	s0 =	sld [smem:$0x3F92]  }
0x30: {  	s3 =	sld [smem:$0x3F95]  }
0x31: {  	[smem:$0x3F9E] =	sst s10  }
0x32: {  	s10 =	sld [smem:$0x3F9C];
	_ =	sdelay $0x3  }
0x33: {  	p0 =	seq.s32 s10, $0x1;
	s10 =	sld [smem:$0x3F9E];
	_ =	sdelay $0x3  }
0x34: {  	[smem:$0x3F9E] =	sst s10  }
0x35: {  	s10 =	sld [smem:$0x3F9D];
	_ =	sdelay $0x3  }
0x36: {  	p1 =	seq.s32 s10, $0x1;
	s10 =	sld [smem:$0x3F9E];
	_ =	sdelay $0x3  }
0x37: {  	[smem:$0x3F9E] =	sst s10  }
0x38: {  	s10 =	sld [smem:$0x3F9F]  }
0x39: {  	_ = 	snop;
	(pc) =	sbr.ind lr, $3  }
0x3a: {  	_ = 	snop  }
0x3b: {  	_ = 	snop  }
0x3c: {  	p2 =	seq.s32 s10, $0x1;
	s10 =	sld [smem:$0x3F9E]  }
0x3d: {  	_ =	shalt  }
0x3e: {  	_ =	shalt  }
0x3f: {  	_ =	shalt  }
0x40: {  	_ =	shalt  }
0x41: {  	_ =	shalt  }
0x42: {  	_ =	shalt  }
0x43: {  	_ =	shalt  }
0x44: {  	_ =	shalt  }
0x45: {  	_ =	shalt  }
0x46: {  	_ =	shalt  }
0x47: {  	_ =	shalt  }
0x48: {  	_ =	shalt  }
0x49: {  	_ =	shalt  }
0x4a: {  	_ =	shalt  }
0x4b: {  	_ =	shalt  }
0x4c: {  	_ =	shalt  }
0x4d: {  	_ =	shalt  }
0x4e: {  	_ =	shalt  }
0x4f: {  	_ =	shalt  }
0x50: {  	_ =	shalt  }
0x51: {  	_ =	shalt  }
0x52: {  	_ =	shalt  }
0x53: {  	_ =	shalt  }
0x54: {  	_ =	shalt  }
0x55: {  	_ =	shalt  }
0x56: {  	_ =	shalt  }
0x57: {  	_ =	shalt  }
0x58: {  	_ =	shalt  }
0x59: {  	_ =	shalt  }
0x5a: {  	_ =	shalt  }
0x5b: {  	_ =	shalt  }
0x5c: {  	_ =	shalt  }
0x5d: {  	_ =	shalt  }
0x5e: {  	_ =	shalt  }
0x5f: {  	_ =	shalt  }
0x60: {  	_ =	shalt  }
0x61: {  	_ =	shalt  }
0x62: {  	_ =	shalt  }
0x63: {  	_ =	shalt  }
0x64: {  	_ =	shalt  }
0x65: {  	_ =	shalt  }
0x66: {  	_ =	shalt  }
0x67: {  	_ =	shalt  }
0x68: {  	_ =	shalt  }
0x69: {  	_ =	shalt  }
0x6a: {  	_ =	shalt  }
0x6b: {  	_ =	shalt  }
0x6c: {  	_ =	shalt  }
0x6d: {  	_ =	shalt  }
0x6e: {  	_ =	shalt  }
0x6f: {  	_ =	shalt  }
0x70: {  	_ =	shalt  }
0x71: {  	_ =	shalt  }
0x72: {  	_ =	shalt  }
0x73: {  	_ =	shalt  }
0x74: {  	_ =	shalt  }
0x75: {  	_ =	shalt  }
0x76: {  	_ =	shalt  }
0x77: {  	_ =	shalt  }
0x78: {  	_ =	shalt  }
0x79: {  	_ =	shalt  }
0x7a: {  	_ =	shalt  }
0x7b: {  	_ =	shalt  }
0x7c: {  	_ =	shalt  }
0x7d: {  	_ =	shalt  }
0x7e: {  	_ =	shalt  }
0x7f: {  	_ =	shalt  }
0x80: {  	_ =	shalt  }
0x81: {  	_ =	shalt  }
0x82: {  	_ =	shalt  }
0x83: {  	_ =	shalt  }
0x84: {  	_ =	shalt  }
0x85: {  	_ =	shalt  }
0x86: {  	_ =	shalt  }
0x87: {  	_ =	shalt  }
.Lfunc_end0:
.L_simem_size_0:
called_computation_lowered:
.L_overlay_start_0:
0x88: {  	s2 =	sld [smem:$0x3FD9]  }
0x89: {  	s3 =	sld [smem:$0x3FFE];
	_ =	sdelay $0x1  }
0x8a: {  	s1 =	srdreg.scid  }
0x8b: {  	s0 =	sand.u32 $0x1, s1  }
0x8c: {  	s14 =	sshll.u32 s0, $0xA;
	s2 =	sadd.s32 s3, s2  }
0x8d: {  	s2 =	sadd.s32 s2, s14  }
0x8e: {  	[smem:$0x3FAA] =	sst s2  }
0x8f: {  	_ = 	snop  }
0x90: {  	s2 =	sld [smem:$0x3FD0];
	_ =	sdelay $0x2  }
0x91: {  	s15 =	simm.s32 $0xA;
	s4 =	simm.s32 $0x10  }
0x92: {  	[smem:s4], [sflag:s15] =	dma.local [hbm:s2], $0x1  }
0x93: {  	_ =	swait.eq [sflag:s15], $0x1  }
0x94: {  	[sflag:s15] =	ssyncset.done $0x0  }
0x95: {  	s16 =	sld [smem:$0x10];
	[sflag:s15] =	ssyncadd.s32 $0xFFFFFFFF  }
0x96: {  	s17 =	sld [smem:$0x11];
	(tm) =	ssettm $0x1  }
0x97: {  	s18 =	sld [smem:$0x3FFB];
	_ =	sdelay $0x3  }
0x98: {  	_ =	strace s18  }
0x99: {  	s4 =	sld [smem:$0x3FFC];
	_ =	sdelay $0x3  }
0x9a: {  	_ =	strace s4  }
0x9b: {  	s4 =	sld [smem:$0x3FFD];
	_ =	sdelay $0x3  }
0x9c: {  	_ =	strace s4  }
0x9d: {  	_ =	strace $0x8FFFFFFF  }
0x9e: {  	s19 =	sld [smem:$0x3FDB];
	_ =	sdelay $0x1  }
0x9f: {  	s5 =	simm.s32 $_scs_section_size  }
0xa0: {  	s6 =	simm.s32 $_size__tile_overlayer_lowered;
	s7 =	simm.s32 $_tile_overlayer_lowered  }
0xa1: {  	s22 =	simm.s32 $0x1BFF;
	s21 =	sshll.u32 s7, $0x1;
	s4 =	sadd.s32 s5, s19  }
0xa2: {  	s8 =	simm.s32 $0x0;
	s20 =	sshll.u32 s6, $0x1;
	s6 =	sadd.s32 s21, s4  }
0xa3: {  	[timem:s8], [sflag:s22] =	dma.local [hbm:s6], s20  }
0xa4: {  	_ =	swait.ge [sflag:s22], s20  }
0xa5: {  	s5 =	ssub.s32 $0x0, s20;
	[sflag:s22] =	ssyncset.done $0x0  }
0xa6: {  	[sflag:s22] =	ssyncadd.s32 s5;
	_ =	sdelay $0x1  }
0xa7: {  	s23 =	simm.s32 $0x1B8B  }
0xa8: {  	_ =	swait.ge [sflag:s23], $0x1  }
0xa9: {  	[sflag:s23] =	ssyncset.done $0x0  }
0xaa: {  	s25 =	simm.s32 $0x1B8E;
	s24 =	sld [smem:$0x3FFE];
	[sflag:s23] =	ssyncadd.s32 $0xFFFFFFFF  }
0xab: {  	s26 =	simm.s32 $execute0_lowered;
	[smem:$0x3FD2] =	sst s25  }
0xac: {  	s6 =	sshll.u32 s26, $0x1;
	_ =	strace $0x80000046;
	[dreg:$0x1] =	wrdreg $0xFFFFFFFF  }
0xad: {  	s28 =	simm.s32 $_size_execute0_lowered;
	s4 =	sadd.s32 s4, s6;
	[dreg:$0x0] =	wrdreg $0x0  }
0xae: {  	s6 =	sshll.u32 s28, $0x1;
	[dreg:$0x2] =	wrdreg s4  }
0xaf: {  	[dreg:$0x3] =	wrdreg s6  }
0xb0: {  	[dreg:$0x4] =	wrdreg $0xC0  }
0xb1: {  	_ =	task [dreg:s8], $0x5FFFF  }
0xb2: {  	[dreg:$0x1] =	wrdreg $0xFFFFFFFF  }
0xb3: {  	[dreg:$0x0] =	wrdreg $0x60  }
0xb4: {  	[dreg:$0x2] =	wrdreg s24  }
0xb5: {  	[dreg:$0x3] =	wrdreg s17  }
0xb6: {  	[dreg:$0x4] =	wrdreg s16  }
0xb7: {  	[dreg:$0x5] =	wrdreg $0x9  }
0xb8: {  	_ =	task.clear_ibuf [dreg:s8], $0x6FFFF;
	_ =	strace $0x90000046  }
0xb9: {  	s29 =	simm.s32 $0x9;
	_ =	strace $0x80000048  }
0xba: {  	_ =	swait.ge [sflag:s29], $0x1  }
0xbb: {  	[sflag:s29] =	ssyncadd.s32 $0xFFFFFFFF  }
0xbc: {  	_ =	strace $0x90000048  }
0xbd: {  	_ =	sfence  }
0xbe: {  	s30 =	sld [smem:$0x0];
	_ =	sdelay $0x2  }
0xbf: {  	s31 =	sshll.u32 s1, $0xD;
	s1 =	sshrl.u32 s1, $0x2  }
0xc0: {  	s3 =	sand.u32 $0x4000, s31;
	s1 =	sadd.s32 s1, s30  }
0xc1: {  	s0 =	sor.u32 s3, s0;
	s1 =	sshll.u32 s1, $0x11  }
0xc2: {  	s0 =	sor.u32 s1, s0  }
0xc3: {  	s0 =	sadd.s32 $0x8F2B, s0  }
0xc4: {  	[sflag:s0] =	ssyncadd.remote.s32 $0x1  }
0xc5: {  	_ =	sfence.sel $0xFFFF  }
0xc6: {  	[dreg:$0x0] =	wrdreg $0xFFFFFFFF;
	(pc) =	sbr.abs _section_cstart, $3  }
0xc7: {  	[dreg:$0x1] =	wrdreg $0xFFFFFFFF  }
0xc8: {  	_ =	task.clear_ibuf [dreg:s8], $0x2FFFF;
	_ =	strace $0x9FFFFFFF  }
0xc9: {  	(tm) =	ssettm $0x7FFFFFFF  }
tec
execute0_lowered:
.L_overlay_start_1:
0x0: {  	(tag) =	ssettag $0x1  }
0x1: {  	s4 =	rddreg [dreg:$0x0]  }
0x2: {  	s5 =	rddreg [dreg:$0x1]  }
0x3: {  	s2 =	rddreg [dreg:$0x2]  }
0x4: {  	s0 =	rddreg [dreg:$0x3];
	s6 =	srdreg.scid  }
0x5: {  	s3 =	simm.s32 $0x0;
	s1 =	stileid.u32;
	s10 =	simm.s32 $0x1080  }
0x6: {  	s11 =	simm.s32 $0x1880;
	s12 =	simm.s32 $0x2080;
	s13 =	simm.s32 $0x2880  }
0x7: {  	s14 =	simm.s32 $0x3080;
	s15 =	simm.s32 $0x3880;
	s6 =	sand.u32 $0x1, s6  }
0x8: {  	s16 =	simm.s32 $0x1;
	s7 =	sshll.u32 s1, $0x7;
	s8 =	sshll.u32 s6, $0x6  }
0x9: {  	[smem:$0x7FF] =	sst s3;
	s6 =	ssub.s32 $0x2, s6;
	s7 =	sor.u32 s8, s7  }
0xa: {  	_ =	strace $0x80000047;
	s9 =	sshrl.u32 s6, $0x1;
	s8 =	sshll.u32 s7, $0x5  }
0xb: {  	v2 =	vlaneseq.u32;
	s7 =	sshrl.u32 s7, $0x3;
	s6 =	ssub.s32 s6, s9;
	s9 =	simm.s32 $0x880  }
0xc: {  	vm0 =	vmmov $0xffff;
	v1 =	vshrl.u32 v2, $0x3;
	s8 =	sadd.s32 s8, s4;
	s4 =	sadd.s32 s5, s7;
	s6 =	smax.u32 s6, $0x1  }
0xd: {  	v0 =	vand.u32 $0x7, v2;
	v2 =	vor.u32 $0x8, v2;
	v1 =	vmul.u32 $0x8, v1;
	s7 =	simm.s32 $0x2;
	s5 =	sadd.s32 $0x4000, s8;
	s8 =	simm.s32 $0x80  }
.LBB2_1:
0xe: {  	[tilespmem:s3], [sflag:$0x2] =	stream.linear.gather [hbm4b:s4+s3], $0x40, $0x38;
	[tilespmem:$0x4080] =	vst v63  }
0xf: {  	_ =	swait.ge [sflag:s7], $0x40  }
0x10: {  	[sflag:s7] =	ssyncset.done $0x0  }
0x11: {  	[sflag:s7] =	ssyncadd.s32 $0xFFFFFFC0  }
0x12: {  	[tilespmem:s8], [sflag:$0x2] =	stream.linear.gather [hbm4b:s5+s3], $0x4000, $0x38;
	[tilespmem:$0x4080] =	vst v63  }
0x13: {  	_ =	swait.ge [sflag:s7], $0x4000  }
0x14: {  	[sflag:s7] =	ssyncset.done $0x0  }
0x15: {  	[sflag:s7] =	ssyncadd.s32 $0xFFFFC000  }
0x16: {  	v3 =	vld [tilespmem:$0x0];
	_ =	sdelay $0x4  }
0x17: {  	v4 =	vshll.u32 v3, $0x1  }
0x18: {  	v3 =	vand.u32 $0x7, v3;
	v4 =	vand.u32 $0xFFFFFFF0, v4  }
0x19: {  	v3 =	vor.u32 v3, v4  }
0x1a: {  	v4 =	vperm.xlane v3, v0;
	_ =	sdelay $0x1  }
0x1b: {  	v3 =	vperm.xlane v3, v2;
	v4 =	vadd.s32 v1, v4;
	_ =	sdelay $0x1  }
0x1c: {  	v3 =	vadd.s32 v1, v3;
	_ =	sdelay $0x2  }
0x1d: {  	[hbm4b:s2+s3] =	stream.indirect_vreg.scatter [tilespmem:s8], [sflag:$0x1], $0x80, v4, vm0, $0xb8;
	[tilespmem:$0x4080] =	vst v63  }
0x1e: {  	_ = 	snop  }
0x1f: {  	[hbm4b:s2+s3] =	stream.indirect_vreg.scatter [tilespmem:s9], [sflag:$0x1], $0x80, v3, vm0, $0xb8;
	[tilespmem:$0x4080] =	vst v63  }
0x20: {  	v3 =	vld [tilespmem:$0x10];
	_ =	sdelay $0x4  }
0x21: {  	v61 =	vshll.u32 v3, $0x1  }
0x22: {  	v3 =	vand.u32 $0x7, v3;
	v4 =	vand.u32 $0xFFFFFFF0, v61  }
0x23: {  	v3 =	vor.u32 v3, v4  }
0x24: {  	v4 =	vperm.xlane v3, v0;
	_ =	sdelay $0x1  }
0x25: {  	v3 =	vperm.xlane v3, v2;
	v4 =	vadd.s32 v1, v4;
	_ =	sdelay $0x1  }
0x26: {  	v3 =	vadd.s32 v1, v3;
	_ =	sdelay $0x2  }
0x27: {  	[hbm4b:s2+s3] =	stream.indirect_vreg.scatter [tilespmem:s10], [sflag:$0x1], $0x80, v4, vm0, $0xb8;
	[tilespmem:$0x4080] =	vst v63  }
0x28: {  	_ = 	snop  }
0x29: {  	[hbm4b:s2+s3] =	stream.indirect_vreg.scatter [tilespmem:s11], [sflag:$0x1], $0x80, v3, vm0, $0xb8;
	[tilespmem:$0x4080] =	vst v63  }
0x2a: {  	v3 =	vld [tilespmem:$0x20];
	_ =	sdelay $0x4  }
0x2b: {  	v62 =	vshll.u32 v3, $0x1  }
0x2c: {  	v3 =	vand.u32 $0x7, v3;
	v4 =	vand.u32 $0xFFFFFFF0, v62  }
0x2d: {  	v3 =	vor.u32 v3, v4  }
0x2e: {  	v4 =	vperm.xlane v3, v0;
	_ =	sdelay $0x1  }
0x2f: {  	v3 =	vperm.xlane v3, v2;
	v4 =	vadd.s32 v1, v4;
	_ =	sdelay $0x1  }
0x30: {  	v3 =	vadd.s32 v1, v3;
	_ =	sdelay $0x2  }
0x31: {  	[hbm4b:s2+s3] =	stream.indirect_vreg.scatter [tilespmem:s12], [sflag:$0x1], $0x80, v4, vm0, $0xb8;
	[tilespmem:$0x4080] =	vst v63  }
0x32: {  	_ = 	snop  }
0x33: {  	[hbm4b:s2+s3] =	stream.indirect_vreg.scatter [tilespmem:s13], [sflag:$0x1], $0x80, v3, vm0, $0xb8;
	[tilespmem:$0x4080] =	vst v63  }
0x34: {  	v3 =	vld [tilespmem:$0x30];
	_ =	sdelay $0x4  }
0x35: {  	v63 =	vshll.u32 v3, $0x1  }
0x36: {  	v3 =	vand.u32 $0x7, v3;
	v4 =	vand.u32 $0xFFFFFFF0, v63  }
0x37: {  	v3 =	vor.u32 v3, v4  }
0x38: {  	v4 =	vperm.xlane v3, v0;
	_ =	sdelay $0x1  }
0x39: {  	v3 =	vperm.xlane v3, v2;
	v4 =	vadd.s32 v1, v4;
	_ =	sdelay $0x1  }
0x3a: {  	v3 =	vadd.s32 v1, v3;
	_ =	sdelay $0x1  }
0x3b: {  	p0 =	sne.s32 s6, $0x1  }
0x3c: {  	[hbm4b:s2+s3] =	stream.indirect_vreg.scatter [tilespmem:s14], [sflag:$0x1], $0x80, v4, vm0, $0xb8;
	[tilespmem:$0x4080] =	vst v63  }
.Ltmp0:
0x3d: {  	_ = 	snop;
	(pc) =	sbr.rel @p0 .LBB2_1-.Ltmp0, $4  }
0x3e: {  	[hbm4b:s2+s3] =	stream.indirect_vreg.scatter [tilespmem:s15], [sflag:$0x1], $0x80, v3, vm0, $0xb8;
	[tilespmem:$0x4080] =	vst v63  }
0x3f: {  	_ =	swait.ge [sflag:s16], $0x4000  }
0x40: {  	[sflag:s16] =	ssyncset.done $0x0  }
0x41: {  	s6 =	sadd.s32 $0xFFFFFFFF, s6;
	[sflag:s16] =	ssyncadd.s32 $0xFFFFC000  }
0x42: {  	_ =	sfence.sel $0x180000  }
0x43: {  	[bflag:$0x0] =	sbarrier.arrive $0xFFFF  }
0x44: {  	p0 =	sne.s32 s1, $0x0;
	_ =	strace $0x90000047  }
0x45: {  	s0 =	sadd.s32 @!p0 $0x100000, s0;
	[bflag:$0x2] =	sbarrier.arrive $0xFFFF  }
0x46: {  	[sflag:s0] =	ssyncadd.tile.s32 @!p0 $0x1;
	_ =	shalt  }
.Lfunc_end2:
_tile_overlayer_lowered:
.L_overlay_start_2:
0x47: {  	(tag) =	ssettag $0x2  }
0x48: {  	s0 =	rddreg [dreg:$0x0];
	s2 =	stileid.u32  }
0x49: {  	s1 =	rddreg [dreg:$0x1];
	p0 =	sne.s32 s2, $0x0  }
0x4a: {  	s3 =	rddreg [dreg:$0x2];
	[bflag:$0x3] =	sbarrier.arrive $0xFFFF;
	s2 =	simm.s32 @!p0 $0x1C02  }
0x4b: {  	[timem:s3], [sflag:s2] =	dma.local @!p0 [hbm:s0], s1  }
0x4c: {  	s0 =	simm.s32 @!p0 $0x2  }
0x4d: {  	_ =	swait.ge @!p0 [sflag:s0], s1  }
0x4e: {  	s1 =	ssub.s32 @!p0 $0x0, s1;
	[sflag:s0] =	ssyncset.done @!p0 $0x0  }
0x4f: {  	[sflag:s0] =	ssyncadd.s32 @!p0 s1  }
0x50: {  	[bflag:$0x3] =	sbarrier.arrive $0xFFFF  }
0x51: {  	_ =	shalt  }

</sc_bundles>
